<compile_context>
chip_gen: v7x
topology: tpu7x:2x2x1
jax: 0.10.2.dev20260603
libtpu: 0.0.44.dev20260713+nightly
codegen_flags: <defaults>
</compile_context>

<pallas_src>
import functools

import jax
import jax.numpy as jnp
from jax import lax
from jax.experimental import pallas as pl
from jax.experimental.pallas import tpu as pltpu
from jax.experimental.pallas import tpu_sc as plsc

_NE = 1024
_NTOK = 16 * 4096
_LANES = 16


def _sc_partial_hist(flat_idx, nc, ns):
  nw = nc * ns
  chunk = _NTOK // nw
  mesh = plsc.VectorSubcoreMesh(
      core_axis_name="c", subcore_axis_name="s", num_cores=nc)

  @functools.partial(
      pl.kernel,
      out_type=jax.ShapeDtypeStruct((nw, _NE), jnp.float32),
      mesh=mesh,
      compiler_params=pltpu.CompilerParams(
          needs_layout_passes=False,
          disable_bounds_checks=True,
          disable_semaphore_checks=True,
      ),
      scratch_types=[
          pltpu.VMEM((chunk,), jnp.int32),
          pltpu.VMEM((_NE,), jnp.float32),
          pltpu.VMEM((_NE,), jnp.float32),
          pltpu.SemaphoreType.DMA,
      ],
  )
  def hist(idx_hbm, out_hbm, idx_v, counts_v, counts_b, sem):
    wid = lax.axis_index("s") * nc + lax.axis_index("c")
    base = wid * chunk
    cp = pltpu.async_copy(idx_hbm.at[pl.ds(base, chunk)], idx_v, sem)

    zeros = jnp.zeros((_LANES,), jnp.float32)

    def zero_body(i, carry):
      counts_v[pl.ds(i * _LANES, _LANES)] = zeros
      counts_b[pl.ds(i * _LANES, _LANES)] = zeros
      return carry

    lax.fori_loop(0, _NE // _LANES, zero_body, 0, unroll=8)
    cp.wait()

    ones = jnp.ones((_LANES,), jnp.float32)

    def body(i, carry):
      ia = idx_v[pl.ds(i * 2 * _LANES, _LANES)]
      ib = idx_v[pl.ds(i * 2 * _LANES + _LANES, _LANES)]
      plsc.addupdate_scatter(counts_v, [ia], ones)
      plsc.addupdate_scatter(counts_b, [ib], ones)
      return carry

    lax.fori_loop(0, chunk // (2 * _LANES), body, 0, unroll=8)

    def merge_body(i, carry):
      sl = pl.ds(i * _LANES, _LANES)
      counts_v[sl] = counts_v[sl] + counts_b[sl]
      return carry

    lax.fori_loop(0, _NE // _LANES, merge_body, 0, unroll=8)

    pltpu.sync_copy(counts_v, out_hbm.at[wid])

  return hist(flat_idx)


def _finish_body(vq_ref, ne_ref, p_ref, *out_ref):
  p = p_ref[...]
  counts = jnp.sum(p, axis=0, keepdims=True)
  usage = counts * (1.0 / _NTOK)
  ent = -jnp.sum(usage * jnp.log(usage + 1e-08))
  util = jnp.mean((usage > 1e-06).astype(jnp.float32))
  ne = ne_ref[...].astype(jnp.float32)
  max_ent = jnp.sum(jnp.log(jnp.full((1, 128), ne, jnp.float32))) * (
      1.0 / 128.0)
  commit = 0.25 * vq_ref[...]
  div = -0.1 * (ent / max_ent)
  t_ref, c_ref, d_ref, u_ref = out_ref
  t_ref[...] = commit + div
  c_ref[...] = commit
  d_ref[...] = div
  u_ref[...] = util


def kernel(vq_loss, indices, num_embeddings):
  nc, ns = 1, 16
  flat = indices.reshape(-1)
  partials = _sc_partial_hist(flat, nc, ns)

  vq = jnp.asarray(vq_loss, jnp.float32)
  ne = jnp.asarray(num_embeddings, jnp.int32)
  out = pl.pallas_call(
      _finish_body,
      compiler_params=pltpu.CompilerParams(
          disable_bounds_checks=True,
          allow_input_fusion=[True, True, False],
      ),
      out_shape=[jax.ShapeDtypeStruct((), jnp.float32)] * 4,
      in_specs=[
          pl.BlockSpec(memory_space=pltpu.SMEM),
          pl.BlockSpec(memory_space=pltpu.SMEM),
          pl.BlockSpec(memory_space=pltpu.VMEM),
      ],
      out_specs=[pl.BlockSpec(memory_space=pltpu.SMEM)] * 4,
  )(vq, ne, partials)
  return (out[0], out[1], out[2], out[3])

# --- scband reference (transcript-rebuilt; emitter-appended) ---
"""Pipeline reference for scband-vqloss-86577950752790 (READ-ONLY COPY).

The authoritative reference and input builder live on the scoring server;
editing this copy changes nothing except your own understanding.
"""

import jax, jax.numpy as jnp
import numpy as np


def setup_inputs(seed: int = 0) -> dict:
    key = jax.random.key(seed)
    k1, k2 = jax.random.split(key)
    vq_loss = jax.random.uniform(k1, (), dtype=jnp.float32)
    indices = jax.random.randint(k2, (16, 4096), 0, 1024, dtype=jnp.int32)
    return {"vq_loss": vq_loss, "indices": indices, "num_embeddings": 1024}


def reference(vq_loss, indices, num_embeddings):
    commitment_weight = 0.25
    diversity_weight = 0.1
    commitment = commitment_weight * vq_loss
    flat = indices.reshape(-1)
    num_embeddings_static = 1024
    one_hot = jax.nn.one_hot(flat, num_embeddings_static, dtype=jnp.float32)
    usage = one_hot.mean(axis=0)
    entropy = -(usage * jnp.log(usage + 1e-08)).sum()
    max_entropy = jnp.log(jnp.asarray(num_embeddings, dtype=jnp.float32))
    diversity_loss = -diversity_weight * (entropy / max_entropy)
    utilization = (usage > 1e-06).astype(jnp.float32).mean()
    total = commitment + diversity_loss
    return (total, commitment, diversity_loss, utilization)

if __name__ == "__main__":
    import jax
    _d = setup_inputs()
    print(jax.jit(kernel)(*tuple(_d.values())))

</pallas_src>

<mosaic_0001>
#map = affine_map<(d0, d1) -> (0)>
#map1 = affine_map<(d0, d1) -> (0, 0)>
module attributes {stable_mosaic.version = 14 : i64} {
  func.func @hist(%arg0: i32, %arg1: i32, %arg2: memref<65536xi32, #tpu.memory_space<hbm>>, %arg3: memref<16x1024xf32, #tpu.memory_space<hbm>>, %arg4: memref<4096xi32, #tpu.memory_space<vmem>>, %arg5: memref<1024xf32, #tpu.memory_space<vmem>>, %arg6: memref<1024xf32, #tpu.memory_space<vmem>>, %arg7: memref<!tpu.dma_semaphore, #tpu.memory_space<semaphore_mem>>) attributes {dimension_semantics = [#tpu.dimension_semantics<core_parallel>, #tpu.dimension_semantics<subcore_parallel>], iteration_bounds = array<i64: 1, 16>, scalar_prefetch = 0 : i64, scratch_operands = 4 : i64, tpu.core_type = #tpu.core_type<sc_vector_subcore>, window_params = [{transform_indices = #map}, {transform_indices = #map1}]} {
    %mul3A = arith.constant 1 : i32
    %mul3A_0 = arith.muli %arg1, %mul3A : i32
    %add3A = arith.addi %mul3A_0, %arg0 : i32
    %mul3A_1 = arith.constant 4096 : i32
    %mul3A_2 = arith.muli %add3A, %mul3A_1 : i32
    %dma_start3A = tpu.memref_slice %arg2[%mul3A_2] : memref<65536xi32, #tpu.memory_space<hbm>> -> memref<4096xi32, #tpu.memory_space<hbm>>
    %dma_start3A_3 = tpu.memref_slice %arg2[%mul3A_2] : memref<65536xi32, #tpu.memory_space<hbm>> -> memref<4096xi32, #tpu.memory_space<hbm>>
    tpu.enqueue_dma source(%dma_start3A_3 : memref<4096xi32, #tpu.memory_space<hbm>>) target(%arg4 : memref<4096xi32, #tpu.memory_space<vmem>>) target_semaphore(%arg7 : memref<!tpu.dma_semaphore, #tpu.memory_space<semaphore_mem>>)
    %broadcast_in_dim3A = arith.constant 0.000000e+00 : f32
    %broadcast_in_dim3A_4 = vector.broadcast %broadcast_in_dim3A : f32 to vector<16xf32>
    %scan3A = arith.constant 0 : i32
    %scan3A_5 = arith.constant 0 : i32
    %scan3A_6 = arith.constant 64 : i32
    %scan3A_7 = arith.addi %scan3A_5, %scan3A_6 : i32
    %scan3A_8 = arith.constant 8 : i32
    scf.for %scan3A_25 = %scan3A_5 to %scan3A_7 step %scan3A_8  : i32 {
      %mul3A_26 = arith.constant 16 : i32
      %mul3A_27 = arith.muli %scan3A_25, %mul3A_26 : i32
      %swap3A = arith.index_cast %mul3A_27 : i32 to index
      %swap3A_28 = tpu.vector_load %arg5[%swap3A] {strides = array<i32>} : memref<1024xf32, #tpu.memory_space<vmem>>, vector<16xf32>,
      tpu.vector_store %arg5[%swap3A], %broadcast_in_dim3A_4 {strides = array<i32>} : memref<1024xf32, #tpu.memory_space<vmem>>, vector<16xf32>,
      %mul3A_29 = arith.constant 16 : i32
      %mul3A_30 = arith.muli %scan3A_25, %mul3A_29 : i32
      %swap3A_31 = arith.index_cast %mul3A_30 : i32 to index
      %swap3A_32 = tpu.vector_load %arg6[%swap3A_31] {strides = array<i32>} : memref<1024xf32, #tpu.memory_space<vmem>>, vector<16xf32>,
      tpu.vector_store %arg6[%swap3A_31], %broadcast_in_dim3A_4 {strides = array<i32>} : memref<1024xf32, #tpu.memory_space<vmem>>, vector<16xf32>,
      %scan3A_33 = arith.constant 1 : i32
      %scan3A_34 = arith.addi %scan3A_25, %scan3A_33 : i32
      %mul3A_35 = arith.constant 16 : i32
      %mul3A_36 = arith.muli %scan3A_34, %mul3A_35 : i32
      %swap3A_37 = arith.index_cast %mul3A_36 : i32 to index
      %swap3A_38 = tpu.vector_load %arg5[%swap3A_37] {strides = array<i32>} : memref<1024xf32, #tpu.memory_space<vmem>>, vector<16xf32>,
      tpu.vector_store %arg5[%swap3A_37], %broadcast_in_dim3A_4 {strides = array<i32>} : memref<1024xf32, #tpu.memory_space<vmem>>, vector<16xf32>,
      %mul3A_39 = arith.constant 16 : i32
      %mul3A_40 = arith.muli %scan3A_34, %mul3A_39 : i32
      %swap3A_41 = arith.index_cast %mul3A_40 : i32 to index
      %swap3A_42 = tpu.vector_load %arg6[%swap3A_41] {strides = array<i32>} : memref<1024xf32, #tpu.memory_space<vmem>>, vector<16xf32>,
      tpu.vector_store %arg6[%swap3A_41], %broadcast_in_dim3A_4 {strides = array<i32>} : memref<1024xf32, #tpu.memory_space<vmem>>, vector<16xf32>,
      %scan3A_43 = arith.constant 2 : i32
      %scan3A_44 = arith.addi %scan3A_25, %scan3A_43 : i32
      %mul3A_45 = arith.constant 16 : i32
      %mul3A_46 = arith.muli %scan3A_44, %mul3A_45 : i32
      %swap3A_47 = arith.index_cast %mul3A_46 : i32 to index
      %swap3A_48 = tpu.vector_load %arg5[%swap3A_47] {strides = array<i32>} : memref<1024xf32, #tpu.memory_space<vmem>>, vector<16xf32>,
      tpu.vector_store %arg5[%swap3A_47], %broadcast_in_dim3A_4 {strides = array<i32>} : memref<1024xf32, #tpu.memory_space<vmem>>, vector<16xf32>,
      %mul3A_49 = arith.constant 16 : i32
      %mul3A_50 = arith.muli %scan3A_44, %mul3A_49 : i32
      %swap3A_51 = arith.index_cast %mul3A_50 : i32 to index
      %swap3A_52 = tpu.vector_load %arg6[%swap3A_51] {strides = array<i32>} : memref<1024xf32, #tpu.memory_space<vmem>>, vector<16xf32>,
      tpu.vector_store %arg6[%swap3A_51], %broadcast_in_dim3A_4 {strides = array<i32>} : memref<1024xf32, #tpu.memory_space<vmem>>, vector<16xf32>,
      %scan3A_53 = arith.constant 3 : i32
      %scan3A_54 = arith.addi %scan3A_25, %scan3A_53 : i32
      %mul3A_55 = arith.constant 16 : i32
      %mul3A_56 = arith.muli %scan3A_54, %mul3A_55 : i32
      %swap3A_57 = arith.index_cast %mul3A_56 : i32 to index
      %swap3A_58 = tpu.vector_load %arg5[%swap3A_57] {strides = array<i32>} : memref<1024xf32, #tpu.memory_space<vmem>>, vector<16xf32>,
      tpu.vector_store %arg5[%swap3A_57], %broadcast_in_dim3A_4 {strides = array<i32>} : memref<1024xf32, #tpu.memory_space<vmem>>, vector<16xf32>,
      %mul3A_59 = arith.constant 16 : i32
      %mul3A_60 = arith.muli %scan3A_54, %mul3A_59 : i32
      %swap3A_61 = arith.index_cast %mul3A_60 : i32 to index
      %swap3A_62 = tpu.vector_load %arg6[%swap3A_61] {strides = array<i32>} : memref<1024xf32, #tpu.memory_space<vmem>>, vector<16xf32>,
      tpu.vector_store %arg6[%swap3A_61], %broadcast_in_dim3A_4 {strides = array<i32>} : memref<1024xf32, #tpu.memory_space<vmem>>, vector<16xf32>,
      %scan3A_63 = arith.constant 4 : i32
      %scan3A_64 = arith.addi %scan3A_25, %scan3A_63 : i32
      %mul3A_65 = arith.constant 16 : i32
      %mul3A_66 = arith.muli %scan3A_64, %mul3A_65 : i32
      %swap3A_67 = arith.index_cast %mul3A_66 : i32 to index
      %swap3A_68 = tpu.vector_load %arg5[%swap3A_67] {strides = array<i32>} : memref<1024xf32, #tpu.memory_space<vmem>>, vector<16xf32>,
      tpu.vector_store %arg5[%swap3A_67], %broadcast_in_dim3A_4 {strides = array<i32>} : memref<1024xf32, #tpu.memory_space<vmem>>, vector<16xf32>,
      %mul3A_69 = arith.constant 16 : i32
      %mul3A_70 = arith.muli %scan3A_64, %mul3A_69 : i32
      %swap3A_71 = arith.index_cast %mul3A_70 : i32 to index
      %swap3A_72 = tpu.vector_load %arg6[%swap3A_71] {strides = array<i32>} : memref<1024xf32, #tpu.memory_space<vmem>>, vector<16xf32>,
      tpu.vector_store %arg6[%swap3A_71], %broadcast_in_dim3A_4 {strides = array<i32>} : memref<1024xf32, #tpu.memory_space<vmem>>, vector<16xf32>,
      %scan3A_73 = arith.constant 5 : i32
      %scan3A_74 = arith.addi %scan3A_25, %scan3A_73 : i32
      %mul3A_75 = arith.constant 16 : i32
      %mul3A_76 = arith.muli %scan3A_74, %mul3A_75 : i32
      %swap3A_77 = arith.index_cast %mul3A_76 : i32 to index
      %swap3A_78 = tpu.vector_load %arg5[%swap3A_77] {strides = array<i32>} : memref<1024xf32, #tpu.memory_space<vmem>>, vector<16xf32>,
      tpu.vector_store %arg5[%swap3A_77], %broadcast_in_dim3A_4 {strides = array<i32>} : memref<1024xf32, #tpu.memory_space<vmem>>, vector<16xf32>,
      %mul3A_79 = arith.constant 16 : i32
      %mul3A_80 = arith.muli %scan3A_74, %mul3A_79 : i32
      %swap3A_81 = arith.index_cast %mul3A_80 : i32 to index
      %swap3A_82 = tpu.vector_load %arg6[%swap3A_81] {strides = array<i32>} : memref<1024xf32, #tpu.memory_space<vmem>>, vector<16xf32>,
      tpu.vector_store %arg6[%swap3A_81], %broadcast_in_dim3A_4 {strides = array<i32>} : memref<1024xf32, #tpu.memory_space<vmem>>, vector<16xf32>,
      %scan3A_83 = arith.constant 6 : i32
      %scan3A_84 = arith.addi %scan3A_25, %scan3A_83 : i32
      %mul3A_85 = arith.constant 16 : i32
      %mul3A_86 = arith.muli %scan3A_84, %mul3A_85 : i32
      %swap3A_87 = arith.index_cast %mul3A_86 : i32 to index
      %swap3A_88 = tpu.vector_load %arg5[%swap3A_87] {strides = array<i32>} : memref<1024xf32, #tpu.memory_space<vmem>>, vector<16xf32>,
      tpu.vector_store %arg5[%swap3A_87], %broadcast_in_dim3A_4 {strides = array<i32>} : memref<1024xf32, #tpu.memory_space<vmem>>, vector<16xf32>,
      %mul3A_89 = arith.constant 16 : i32
      %mul3A_90 = arith.muli %scan3A_84, %mul3A_89 : i32
      %swap3A_91 = arith.index_cast %mul3A_90 : i32 to index
      %swap3A_92 = tpu.vector_load %arg6[%swap3A_91] {strides = array<i32>} : memref<1024xf32, #tpu.memory_space<vmem>>, vector<16xf32>,
      tpu.vector_store %arg6[%swap3A_91], %broadcast_in_dim3A_4 {strides = array<i32>} : memref<1024xf32, #tpu.memory_space<vmem>>, vector<16xf32>,
      %scan3A_93 = arith.constant 7 : i32
      %scan3A_94 = arith.addi %scan3A_25, %scan3A_93 : i32
      %mul3A_95 = arith.constant 16 : i32
      %mul3A_96 = arith.muli %scan3A_94, %mul3A_95 : i32
      %swap3A_97 = arith.index_cast %mul3A_96 : i32 to index
      %swap3A_98 = tpu.vector_load %arg5[%swap3A_97] {strides = array<i32>} : memref<1024xf32, #tpu.memory_space<vmem>>, vector<16xf32>,
      tpu.vector_store %arg5[%swap3A_97], %broadcast_in_dim3A_4 {strides = array<i32>} : memref<1024xf32, #tpu.memory_space<vmem>>, vector<16xf32>,
      %mul3A_99 = arith.constant 16 : i32
      %mul3A_100 = arith.muli %scan3A_94, %mul3A_99 : i32
      %swap3A_101 = arith.index_cast %mul3A_100 : i32 to index
      %swap3A_102 = tpu.vector_load %arg6[%swap3A_101] {strides = array<i32>} : memref<1024xf32, #tpu.memory_space<vmem>>, vector<16xf32>,
      tpu.vector_store %arg6[%swap3A_101], %broadcast_in_dim3A_4 {strides = array<i32>} : memref<1024xf32, #tpu.memory_space<vmem>>, vector<16xf32>,
    }
    %scan3A_9 = arith.constant 64 : i32
    %dma_wait3A = tpu.memref_slice %arg2[%mul3A_2] : memref<65536xi32, #tpu.memory_space<hbm>> -> memref<4096xi32, #tpu.memory_space<hbm>>
    %dma_wait3A_10 = tpu.memref_slice %arg2[%mul3A_2] : memref<65536xi32, #tpu.memory_space<hbm>> -> memref<4096xi32, #tpu.memory_space<hbm>>
    tpu.wait_dma2 semaphore(%arg7 : memref<!tpu.dma_semaphore, #tpu.memory_space<semaphore_mem>>) src(%dma_wait3A_10 : memref<4096xi32, #tpu.memory_space<hbm>>) dst(%arg4 : memref<4096xi32, #tpu.memory_space<vmem>>)
    %broadcast_in_dim3A_11 = arith.constant 1.000000e+00 : f32
    %broadcast_in_dim3A_12 = vector.broadcast %broadcast_in_dim3A_11 : f32 to vector<16xf32>
    %scan3A_13 = arith.constant 0 : i32
    %scan3A_14 = arith.constant 0 : i32
    %scan3A_15 = arith.constant 128 : i32
    %scan3A_16 = arith.addi %scan3A_14, %scan3A_15 : i32
    %scan3A_17 = arith.constant 8 : i32
    scf.for %scan3A_25 = %scan3A_14 to %scan3A_16 step %scan3A_17  : i32 {
      %mul3A_26 = arith.constant 2 : i32
      %mul3A_27 = arith.muli %scan3A_25, %mul3A_26 : i32
      %mul3A_28 = arith.constant 16 : i32
      %mul3A_29 = arith.muli %mul3A_27, %mul3A_28 : i32
      %get3A = arith.index_cast %mul3A_29 : i32 to index
      %get3A_30 = tpu.vector_load %arg4[%get3A] {strides = array<i32>} : memref<4096xi32, #tpu.memory_space<vmem>>, vector<16xi32>,
      %mul3A_31 = arith.constant 2 : i32
      %mul3A_32 = arith.muli %scan3A_25, %mul3A_31 : i32
      %mul3A_33 = arith.constant 16 : i32
      %mul3A_34 = arith.muli %mul3A_32, %mul3A_33 : i32
      %add3A_35 = arith.constant 16 : i32
      %add3A_36 = arith.addi %mul3A_34, %add3A_35 : i32
      %get3A_37 = arith.index_cast %add3A_36 : i32 to index
      %get3A_38 = tpu.vector_load %arg4[%get3A_37] {strides = array<i32>} : memref<4096xi32, #tpu.memory_space<vmem>>, vector<16xi32>,
      tpu.vector_store_idx %arg5[%get3A_30], %broadcast_in_dim3A_12 {add = true} : memref<1024xf32, #tpu.memory_space<vmem>>[vector<16xi32>], vector<16xf32>,
      tpu.vector_store_idx %arg6[%get3A_38], %broadcast_in_dim3A_12 {add = true} : memref<1024xf32, #tpu.memory_space<vmem>>[vector<16xi32>], vector<16xf32>,
      %scan3A_39 = arith.constant 1 : i32
      %scan3A_40 = arith.addi %scan3A_25, %scan3A_39 : i32
      %mul3A_41 = arith.constant 2 : i32
      %mul3A_42 = arith.muli %scan3A_40, %mul3A_41 : i32
      %mul3A_43 = arith.constant 16 : i32
      %mul3A_44 = arith.muli %mul3A_42, %mul3A_43 : i32
      %get3A_45 = arith.index_cast %mul3A_44 : i32 to index
      %get3A_46 = tpu.vector_load %arg4[%get3A_45] {strides = array<i32>} : memref<4096xi32, #tpu.memory_space<vmem>>, vector<16xi32>,
      %mul3A_47 = arith.constant 2 : i32
      %mul3A_48 = arith.muli %scan3A_40, %mul3A_47 : i32
      %mul3A_49 = arith.constant 16 : i32
      %mul3A_50 = arith.muli %mul3A_48, %mul3A_49 : i32
      %add3A_51 = arith.constant 16 : i32
      %add3A_52 = arith.addi %mul3A_50, %add3A_51 : i32
      %get3A_53 = arith.index_cast %add3A_52 : i32 to index
      %get3A_54 = tpu.vector_load %arg4[%get3A_53] {strides = array<i32>} : memref<4096xi32, #tpu.memory_space<vmem>>, vector<16xi32>,
      tpu.vector_store_idx %arg5[%get3A_46], %broadcast_in_dim3A_12 {add = true} : memref<1024xf32, #tpu.memory_space<vmem>>[vector<16xi32>], vector<16xf32>,
      tpu.vector_store_idx %arg6[%get3A_54], %broadcast_in_dim3A_12 {add = true} : memref<1024xf32, #tpu.memory_space<vmem>>[vector<16xi32>], vector<16xf32>,
      %scan3A_55 = arith.constant 2 : i32
      %scan3A_56 = arith.addi %scan3A_25, %scan3A_55 : i32
      %mul3A_57 = arith.constant 2 : i32
      %mul3A_58 = arith.muli %scan3A_56, %mul3A_57 : i32
      %mul3A_59 = arith.constant 16 : i32
      %mul3A_60 = arith.muli %mul3A_58, %mul3A_59 : i32
      %get3A_61 = arith.index_cast %mul3A_60 : i32 to index
      %get3A_62 = tpu.vector_load %arg4[%get3A_61] {strides = array<i32>} : memref<4096xi32, #tpu.memory_space<vmem>>, vector<16xi32>,
      %mul3A_63 = arith.constant 2 : i32
      %mul3A_64 = arith.muli %scan3A_56, %mul3A_63 : i32
      %mul3A_65 = arith.constant 16 : i32
      %mul3A_66 = arith.muli %mul3A_64, %mul3A_65 : i32
      %add3A_67 = arith.constant 16 : i32
      %add3A_68 = arith.addi %mul3A_66, %add3A_67 : i32
      %get3A_69 = arith.index_cast %add3A_68 : i32 to index
      %get3A_70 = tpu.vector_load %arg4[%get3A_69] {strides = array<i32>} : memref<4096xi32, #tpu.memory_space<vmem>>, vector<16xi32>,
      tpu.vector_store_idx %arg5[%get3A_62], %broadcast_in_dim3A_12 {add = true} : memref<1024xf32, #tpu.memory_space<vmem>>[vector<16xi32>], vector<16xf32>,
      tpu.vector_store_idx %arg6[%get3A_70], %broadcast_in_dim3A_12 {add = true} : memref<1024xf32, #tpu.memory_space<vmem>>[vector<16xi32>], vector<16xf32>,
      %scan3A_71 = arith.constant 3 : i32
      %scan3A_72 = arith.addi %scan3A_25, %scan3A_71 : i32
      %mul3A_73 = arith.constant 2 : i32
      %mul3A_74 = arith.muli %scan3A_72, %mul3A_73 : i32
      %mul3A_75 = arith.constant 16 : i32
      %mul3A_76 = arith.muli %mul3A_74, %mul3A_75 : i32
      %get3A_77 = arith.index_cast %mul3A_76 : i32 to index
      %get3A_78 = tpu.vector_load %arg4[%get3A_77] {strides = array<i32>} : memref<4096xi32, #tpu.memory_space<vmem>>, vector<16xi32>,
      %mul3A_79 = arith.constant 2 : i32
      %mul3A_80 = arith.muli %scan3A_72, %mul3A_79 : i32
      %mul3A_81 = arith.constant 16 : i32
      %mul3A_82 = arith.muli %mul3A_80, %mul3A_81 : i32
      %add3A_83 = arith.constant 16 : i32
      %add3A_84 = arith.addi %mul3A_82, %add3A_83 : i32
      %get3A_85 = arith.index_cast %add3A_84 : i32 to index
      %get3A_86 = tpu.vector_load %arg4[%get3A_85] {strides = array<i32>} : memref<4096xi32, #tpu.memory_space<vmem>>, vector<16xi32>,
      tpu.vector_store_idx %arg5[%get3A_78], %broadcast_in_dim3A_12 {add = true} : memref<1024xf32, #tpu.memory_space<vmem>>[vector<16xi32>], vector<16xf32>,
      tpu.vector_store_idx %arg6[%get3A_86], %broadcast_in_dim3A_12 {add = true} : memref<1024xf32, #tpu.memory_space<vmem>>[vector<16xi32>], vector<16xf32>,
      %scan3A_87 = arith.constant 4 : i32
      %scan3A_88 = arith.addi %scan3A_25, %scan3A_87 : i32
      %mul3A_89 = arith.constant 2 : i32
      %mul3A_90 = arith.muli %scan3A_88, %mul3A_89 : i32
      %mul3A_91 = arith.constant 16 : i32
      %mul3A_92 = arith.muli %mul3A_90, %mul3A_91 : i32
      %get3A_93 = arith.index_cast %mul3A_92 : i32 to index
      %get3A_94 = tpu.vector_load %arg4[%get3A_93] {strides = array<i32>} : memref<4096xi32, #tpu.memory_space<vmem>>, vector<16xi32>,
      %mul3A_95 = arith.constant 2 : i32
      %mul3A_96 = arith.muli %scan3A_88, %mul3A_95 : i32
      %mul3A_97 = arith.constant 16 : i32
      %mul3A_98 = arith.muli %mul3A_96, %mul3A_97 : i32
      %add3A_99 = arith.constant 16 : i32
      %add3A_100 = arith.addi %mul3A_98, %add3A_99 : i32
      %get3A_101 = arith.index_cast %add3A_100 : i32 to index
      %get3A_102 = tpu.vector_load %arg4[%get3A_101] {strides = array<i32>} : memref<4096xi32, #tpu.memory_space<vmem>>, vector<16xi32>,
      tpu.vector_store_idx %arg5[%get3A_94], %broadcast_in_dim3A_12 {add = true} : memref<1024xf32, #tpu.memory_space<vmem>>[vector<16xi32>], vector<16xf32>,
      tpu.vector_store_idx %arg6[%get3A_102], %broadcast_in_dim3A_12 {add = true} : memref<1024xf32, #tpu.memory_space<vmem>>[vector<16xi32>], vector<16xf32>,
      %scan3A_103 = arith.constant 5 : i32
      %scan3A_104 = arith.addi %scan3A_25, %scan3A_103 : i32
      %mul3A_105 = arith.constant 2 : i32
      %mul3A_106 = arith.muli %scan3A_104, %mul3A_105 : i32
      %mul3A_107 = arith.constant 16 : i32
      %mul3A_108 = arith.muli %mul3A_106, %mul3A_107 : i32
      %get3A_109 = arith.index_cast %mul3A_108 : i32 to index
      %get3A_110 = tpu.vector_load %arg4[%get3A_109] {strides = array<i32>} : memref<4096xi32, #tpu.memory_space<vmem>>, vector<16xi32>,
      %mul3A_111 = arith.constant 2 : i32
      %mul3A_112 = arith.muli %scan3A_104, %mul3A_111 : i32
      %mul3A_113 = arith.constant 16 : i32
      %mul3A_114 = arith.muli %mul3A_112, %mul3A_113 : i32
      %add3A_115 = arith.constant 16 : i32
      %add3A_116 = arith.addi %mul3A_114, %add3A_115 : i32
      %get3A_117 = arith.index_cast %add3A_116 : i32 to index
      %get3A_118 = tpu.vector_load %arg4[%get3A_117] {strides = array<i32>} : memref<4096xi32, #tpu.memory_space<vmem>>, vector<16xi32>,
      tpu.vector_store_idx %arg5[%get3A_110], %broadcast_in_dim3A_12 {add = true} : memref<1024xf32, #tpu.memory_space<vmem>>[vector<16xi32>], vector<16xf32>,
      tpu.vector_store_idx %arg6[%get3A_118], %broadcast_in_dim3A_12 {add = true} : memref<1024xf32, #tpu.memory_space<vmem>>[vector<16xi32>], vector<16xf32>,
      %scan3A_119 = arith.constant 6 : i32
      %scan3A_120 = arith.addi %scan3A_25, %scan3A_119 : i32
      %mul3A_121 = arith.constant 2 : i32
      %mul3A_122 = arith.muli %scan3A_120, %mul3A_121 : i32
      %mul3A_123 = arith.constant 16 : i32
      %mul3A_124 = arith.muli %mul3A_122, %mul3A_123 : i32
      %get3A_125 = arith.index_cast %mul3A_124 : i32 to index
      %get3A_126 = tpu.vector_load %arg4[%get3A_125] {strides = array<i32>} : memref<4096xi32, #tpu.memory_space<vmem>>, vector<16xi32>,
      %mul3A_127 = arith.constant 2 : i32
      %mul3A_128 = arith.muli %scan3A_120, %mul3A_127 : i32
      %mul3A_129 = arith.constant 16 : i32
      %mul3A_130 = arith.muli %mul3A_128, %mul3A_129 : i32
      %add3A_131 = arith.constant 16 : i32
      %add3A_132 = arith.addi %mul3A_130, %add3A_131 : i32
      %get3A_133 = arith.index_cast %add3A_132 : i32 to index
      %get3A_134 = tpu.vector_load %arg4[%get3A_133] {strides = array<i32>} : memref<4096xi32, #tpu.memory_space<vmem>>, vector<16xi32>,
      tpu.vector_store_idx %arg5[%get3A_126], %broadcast_in_dim3A_12 {add = true} : memref<1024xf32, #tpu.memory_space<vmem>>[vector<16xi32>], vector<16xf32>,
      tpu.vector_store_idx %arg6[%get3A_134], %broadcast_in_dim3A_12 {add = true} : memref<1024xf32, #tpu.memory_space<vmem>>[vector<16xi32>], vector<16xf32>,
      %scan3A_135 = arith.constant 7 : i32
      %scan3A_136 = arith.addi %scan3A_25, %scan3A_135 : i32
      %mul3A_137 = arith.constant 2 : i32
      %mul3A_138 = arith.muli %scan3A_136, %mul3A_137 : i32
      %mul3A_139 = arith.constant 16 : i32
      %mul3A_140 = arith.muli %mul3A_138, %mul3A_139 : i32
      %get3A_141 = arith.index_cast %mul3A_140 : i32 to index
      %get3A_142 = tpu.vector_load %arg4[%get3A_141] {strides = array<i32>} : memref<4096xi32, #tpu.memory_space<vmem>>, vector<16xi32>,
      %mul3A_143 = arith.constant 2 : i32
      %mul3A_144 = arith.muli %scan3A_136, %mul3A_143 : i32
      %mul3A_145 = arith.constant 16 : i32
      %mul3A_146 = arith.muli %mul3A_144, %mul3A_145 : i32
      %add3A_147 = arith.constant 16 : i32
      %add3A_148 = arith.addi %mul3A_146, %add3A_147 : i32
      %get3A_149 = arith.index_cast %add3A_148 : i32 to index
      %get3A_150 = tpu.vector_load %arg4[%get3A_149] {strides = array<i32>} : memref<4096xi32, #tpu.memory_space<vmem>>, vector<16xi32>,
      tpu.vector_store_idx %arg5[%get3A_142], %broadcast_in_dim3A_12 {add = true} : memref<1024xf32, #tpu.memory_space<vmem>>[vector<16xi32>], vector<16xf32>,
      tpu.vector_store_idx %arg6[%get3A_150], %broadcast_in_dim3A_12 {add = true} : memref<1024xf32, #tpu.memory_space<vmem>>[vector<16xi32>], vector<16xf32>,
    }
    %scan3A_18 = arith.constant 128 : i32
    %scan3A_19 = arith.constant 0 : i32
    %scan3A_20 = arith.constant 0 : i32
    %scan3A_21 = arith.constant 64 : i32
    %scan3A_22 = arith.addi %scan3A_20, %scan3A_21 : i32
    %scan3A_23 = arith.constant 8 : i32
    scf.for %scan3A_25 = %scan3A_20 to %scan3A_22 step %scan3A_23  : i32 {
      %mul3A_26 = arith.constant 16 : i32
      %mul3A_27 = arith.muli %scan3A_25, %mul3A_26 : i32
      %get3A = arith.index_cast %mul3A_27 : i32 to index
      %get3A_28 = tpu.vector_load %arg5[%get3A] {strides = array<i32>} : memref<1024xf32, #tpu.memory_space<vmem>>, vector<16xf32>,
      %get3A_29 = arith.index_cast %mul3A_27 : i32 to index
      %get3A_30 = tpu.vector_load %arg6[%get3A_29] {strides = array<i32>} : memref<1024xf32, #tpu.memory_space<vmem>>, vector<16xf32>,
      %add3A_31 = arith.addf %get3A_28, %get3A_30 : vector<16xf32>
      %swap3A = arith.index_cast %mul3A_27 : i32 to index
      %swap3A_32 = tpu.vector_load %arg5[%swap3A] {strides = array<i32>} : memref<1024xf32, #tpu.memory_space<vmem>>, vector<16xf32>,
      tpu.vector_store %arg5[%swap3A], %add3A_31 {strides = array<i32>} : memref<1024xf32, #tpu.memory_space<vmem>>, vector<16xf32>,
      %scan3A_33 = arith.constant 1 : i32
      %scan3A_34 = arith.addi %scan3A_25, %scan3A_33 : i32
      %mul3A_35 = arith.constant 16 : i32
      %mul3A_36 = arith.muli %scan3A_34, %mul3A_35 : i32
      %get3A_37 = arith.index_cast %mul3A_36 : i32 to index
      %get3A_38 = tpu.vector_load %arg5[%get3A_37] {strides = array<i32>} : memref<1024xf32, #tpu.memory_space<vmem>>, vector<16xf32>,
      %get3A_39 = arith.index_cast %mul3A_36 : i32 to index
      %get3A_40 = tpu.vector_load %arg6[%get3A_39] {strides = array<i32>} : memref<1024xf32, #tpu.memory_space<vmem>>, vector<16xf32>,
      %add3A_41 = arith.addf %get3A_38, %get3A_40 : vector<16xf32>
      %swap3A_42 = arith.index_cast %mul3A_36 : i32 to index
      %swap3A_43 = tpu.vector_load %arg5[%swap3A_42] {strides = array<i32>} : memref<1024xf32, #tpu.memory_space<vmem>>, vector<16xf32>,
      tpu.vector_store %arg5[%swap3A_42], %add3A_41 {strides = array<i32>} : memref<1024xf32, #tpu.memory_space<vmem>>, vector<16xf32>,
      %scan3A_44 = arith.constant 2 : i32
      %scan3A_45 = arith.addi %scan3A_25, %scan3A_44 : i32
      %mul3A_46 = arith.constant 16 : i32
      %mul3A_47 = arith.muli %scan3A_45, %mul3A_46 : i32
      %get3A_48 = arith.index_cast %mul3A_47 : i32 to index
      %get3A_49 = tpu.vector_load %arg5[%get3A_48] {strides = array<i32>} : memref<1024xf32, #tpu.memory_space<vmem>>, vector<16xf32>,
      %get3A_50 = arith.index_cast %mul3A_47 : i32 to index
      %get3A_51 = tpu.vector_load %arg6[%get3A_50] {strides = array<i32>} : memref<1024xf32, #tpu.memory_space<vmem>>, vector<16xf32>,
      %add3A_52 = arith.addf %get3A_49, %get3A_51 : vector<16xf32>
      %swap3A_53 = arith.index_cast %mul3A_47 : i32 to index
      %swap3A_54 = tpu.vector_load %arg5[%swap3A_53] {strides = array<i32>} : memref<1024xf32, #tpu.memory_space<vmem>>, vector<16xf32>,
      tpu.vector_store %arg5[%swap3A_53], %add3A_52 {strides = array<i32>} : memref<1024xf32, #tpu.memory_space<vmem>>, vector<16xf32>,
      %scan3A_55 = arith.constant 3 : i32
      %scan3A_56 = arith.addi %scan3A_25, %scan3A_55 : i32
      %mul3A_57 = arith.constant 16 : i32
      %mul3A_58 = arith.muli %scan3A_56, %mul3A_57 : i32
      %get3A_59 = arith.index_cast %mul3A_58 : i32 to index
      %get3A_60 = tpu.vector_load %arg5[%get3A_59] {strides = array<i32>} : memref<1024xf32, #tpu.memory_space<vmem>>, vector<16xf32>,
      %get3A_61 = arith.index_cast %mul3A_58 : i32 to index
      %get3A_62 = tpu.vector_load %arg6[%get3A_61] {strides = array<i32>} : memref<1024xf32, #tpu.memory_space<vmem>>, vector<16xf32>,
      %add3A_63 = arith.addf %get3A_60, %get3A_62 : vector<16xf32>
      %swap3A_64 = arith.index_cast %mul3A_58 : i32 to index
      %swap3A_65 = tpu.vector_load %arg5[%swap3A_64] {strides = array<i32>} : memref<1024xf32, #tpu.memory_space<vmem>>, vector<16xf32>,
      tpu.vector_store %arg5[%swap3A_64], %add3A_63 {strides = array<i32>} : memref<1024xf32, #tpu.memory_space<vmem>>, vector<16xf32>,
      %scan3A_66 = arith.constant 4 : i32
      %scan3A_67 = arith.addi %scan3A_25, %scan3A_66 : i32
      %mul3A_68 = arith.constant 16 : i32
      %mul3A_69 = arith.muli %scan3A_67, %mul3A_68 : i32
      %get3A_70 = arith.index_cast %mul3A_69 : i32 to index
      %get3A_71 = tpu.vector_load %arg5[%get3A_70] {strides = array<i32>} : memref<1024xf32, #tpu.memory_space<vmem>>, vector<16xf32>,
      %get3A_72 = arith.index_cast %mul3A_69 : i32 to index
      %get3A_73 = tpu.vector_load %arg6[%get3A_72] {strides = array<i32>} : memref<1024xf32, #tpu.memory_space<vmem>>, vector<16xf32>,
      %add3A_74 = arith.addf %get3A_71, %get3A_73 : vector<16xf32>
      %swap3A_75 = arith.index_cast %mul3A_69 : i32 to index
      %swap3A_76 = tpu.vector_load %arg5[%swap3A_75] {strides = array<i32>} : memref<1024xf32, #tpu.memory_space<vmem>>, vector<16xf32>,
      tpu.vector_store %arg5[%swap3A_75], %add3A_74 {strides = array<i32>} : memref<1024xf32, #tpu.memory_space<vmem>>, vector<16xf32>,
      %scan3A_77 = arith.constant 5 : i32
      %scan3A_78 = arith.addi %scan3A_25, %scan3A_77 : i32
      %mul3A_79 = arith.constant 16 : i32
      %mul3A_80 = arith.muli %scan3A_78, %mul3A_79 : i32
      %get3A_81 = arith.index_cast %mul3A_80 : i32 to index
      %get3A_82 = tpu.vector_load %arg5[%get3A_81] {strides = array<i32>} : memref<1024xf32, #tpu.memory_space<vmem>>, vector<16xf32>,
      %get3A_83 = arith.index_cast %mul3A_80 : i32 to index
      %get3A_84 = tpu.vector_load %arg6[%get3A_83] {strides = array<i32>} : memref<1024xf32, #tpu.memory_space<vmem>>, vector<16xf32>,
      %add3A_85 = arith.addf %get3A_82, %get3A_84 : vector<16xf32>
      %swap3A_86 = arith.index_cast %mul3A_80 : i32 to index
      %swap3A_87 = tpu.vector_load %arg5[%swap3A_86] {strides = array<i32>} : memref<1024xf32, #tpu.memory_space<vmem>>, vector<16xf32>,
      tpu.vector_store %arg5[%swap3A_86], %add3A_85 {strides = array<i32>} : memref<1024xf32, #tpu.memory_space<vmem>>, vector<16xf32>,
      %scan3A_88 = arith.constant 6 : i32
      %scan3A_89 = arith.addi %scan3A_25, %scan3A_88 : i32
      %mul3A_90 = arith.constant 16 : i32
      %mul3A_91 = arith.muli %scan3A_89, %mul3A_90 : i32
      %get3A_92 = arith.index_cast %mul3A_91 : i32 to index
      %get3A_93 = tpu.vector_load %arg5[%get3A_92] {strides = array<i32>} : memref<1024xf32, #tpu.memory_space<vmem>>, vector<16xf32>,
      %get3A_94 = arith.index_cast %mul3A_91 : i32 to index
      %get3A_95 = tpu.vector_load %arg6[%get3A_94] {strides = array<i32>} : memref<1024xf32, #tpu.memory_space<vmem>>, vector<16xf32>,
      %add3A_96 = arith.addf %get3A_93, %get3A_95 : vector<16xf32>
      %swap3A_97 = arith.index_cast %mul3A_91 : i32 to index
      %swap3A_98 = tpu.vector_load %arg5[%swap3A_97] {strides = array<i32>} : memref<1024xf32, #tpu.memory_space<vmem>>, vector<16xf32>,
      tpu.vector_store %arg5[%swap3A_97], %add3A_96 {strides = array<i32>} : memref<1024xf32, #tpu.memory_space<vmem>>, vector<16xf32>,
      %scan3A_99 = arith.constant 7 : i32
      %scan3A_100 = arith.addi %scan3A_25, %scan3A_99 : i32
      %mul3A_101 = arith.constant 16 : i32
      %mul3A_102 = arith.muli %scan3A_100, %mul3A_101 : i32
      %get3A_103 = arith.index_cast %mul3A_102 : i32 to index
      %get3A_104 = tpu.vector_load %arg5[%get3A_103] {strides = array<i32>} : memref<1024xf32, #tpu.memory_space<vmem>>, vector<16xf32>,
      %get3A_105 = arith.index_cast %mul3A_102 : i32 to index
      %get3A_106 = tpu.vector_load %arg6[%get3A_105] {strides = array<i32>} : memref<1024xf32, #tpu.memory_space<vmem>>, vector<16xf32>,
      %add3A_107 = arith.addf %get3A_104, %get3A_106 : vector<16xf32>
      %swap3A_108 = arith.index_cast %mul3A_102 : i32 to index
      %swap3A_109 = tpu.vector_load %arg5[%swap3A_108] {strides = array<i32>} : memref<1024xf32, #tpu.memory_space<vmem>>, vector<16xf32>,
      tpu.vector_store %arg5[%swap3A_108], %add3A_107 {strides = array<i32>} : memref<1024xf32, #tpu.memory_space<vmem>>, vector<16xf32>,
    }
    %scan3A_24 = arith.constant 64 : i32
    "tpu.region"() ({
      %run_scoped3A = tpu.sem_alloc : memref<!tpu.dma_semaphore, #tpu.memory_space<semaphore_mem>>
      %dma_start3A_25 = arith.constant 0 : i32
      %dma_start3A_26 = tpu.memref_slice %arg3[%add3A, %dma_start3A_25] : memref<16x1024xf32, #tpu.memory_space<hbm>> -> memref<1x1024xf32, #tpu.memory_space<hbm>>
      %dma_start3A_27 = tpu.memref_squeeze %dma_start3A_26 : memref<1x1024xf32, #tpu.memory_space<hbm>> -> memref<1024xf32, #tpu.memory_space<hbm>>
      %dma_start3A_28 = arith.constant 0 : i32
      %dma_start3A_29 = tpu.memref_slice %arg3[%add3A, %dma_start3A_28] : memref<16x1024xf32, #tpu.memory_space<hbm>> -> memref<1x1024xf32, #tpu.memory_space<hbm>>
      %dma_start3A_30 = tpu.memref_squeeze %dma_start3A_29 : memref<1x1024xf32, #tpu.memory_space<hbm>> -> memref<1024xf32, #tpu.memory_space<hbm>>
      tpu.enqueue_dma source(%arg5 : memref<1024xf32, #tpu.memory_space<vmem>>) target(%dma_start3A_30 : memref<1024xf32, #tpu.memory_space<hbm>>) target_semaphore(%run_scoped3A : memref<!tpu.dma_semaphore, #tpu.memory_space<semaphore_mem>>)
      %dma_wait3A_31 = arith.constant 0 : i32
      %dma_wait3A_32 = tpu.memref_slice %arg3[%add3A, %dma_wait3A_31] : memref<16x1024xf32, #tpu.memory_space<hbm>> -> memref<1x1024xf32, #tpu.memory_space<hbm>>
      %dma_wait3A_33 = tpu.memref_squeeze %dma_wait3A_32 : memref<1x1024xf32, #tpu.memory_space<hbm>> -> memref<1024xf32, #tpu.memory_space<hbm>>
      %dma_wait3A_34 = arith.constant 0 : i32
      %dma_wait3A_35 = tpu.memref_slice %arg3[%add3A, %dma_wait3A_34] : memref<16x1024xf32, #tpu.memory_space<hbm>> -> memref<1x1024xf32, #tpu.memory_space<hbm>>
      %dma_wait3A_36 = tpu.memref_squeeze %dma_wait3A_35 : memref<1x1024xf32, #tpu.memory_space<hbm>> -> memref<1024xf32, #tpu.memory_space<hbm>>
      tpu.wait_dma2 semaphore(%run_scoped3A : memref<!tpu.dma_semaphore, #tpu.memory_space<semaphore_mem>>) src(%arg5 : memref<1024xf32, #tpu.memory_space<vmem>>) dst(%dma_wait3A_36 : memref<1024xf32, #tpu.memory_space<hbm>>)
      tpu.yield
    }) : () -> ()
    return
  }
}

module attributes {stable_mosaic.version = 14 : i64} {
  func.func @_finish_body(%arg0: memref<f32, #tpu.memory_space<smem>>, %arg1: memref<i32, #tpu.memory_space<smem>>, %arg2: memref<16x1024xf32, #tpu.memory_space<vmem>>, %arg3: memref<f32, #tpu.memory_space<smem>>, %arg4: memref<f32, #tpu.memory_space<smem>>, %arg5: memref<f32, #tpu.memory_space<smem>>, %arg6: memref<f32, #tpu.memory_space<smem>>) attributes {dimension_semantics = [], scalar_prefetch = 0 : i64, scratch_operands = 0 : i64, tpu.core_type = #tpu.core_type<tc>} {
    %get3A = arith.constant 0 : index
    %get3A_0 = arith.constant 0 : index
    %get3A_1 = vector.load %arg2[%get3A, %get3A_0] : memref<16x1024xf32, #tpu.memory_space<vmem>>, vector<16x1024xf32>
    %reduce_sum3A = arith.constant dense<0.000000e+00> : vector<1024xf32>
    %reduce_sum3A_2 = vector.multi_reduction <add>, %get3A_1, %reduce_sum3A [0] : vector<16x1024xf32> to vector<1024xf32>
    %broadcast_in_dim3A = vector.shape_cast %reduce_sum3A_2 : vector<1024xf32> to vector<1x1024xf32>
    %mul3A = arith.constant 1.52587891E-5 : f32
    %mul3A_3 = vector.broadcast %mul3A : f32 to vector<1x1024xf32>
    %mul3A_4 = arith.mulf %broadcast_in_dim3A, %mul3A_3 : vector<1x1024xf32>
    %add3A = arith.constant 9.99999993E-9 : f32
    %add3A_5 = vector.broadcast %add3A : f32 to vector<1x1024xf32>
    %add3A_6 = arith.addf %mul3A_4, %add3A_5 : vector<1x1024xf32>
    %log3A = math.log %add3A_6 : vector<1x1024xf32>
    %mul3A_7 = arith.mulf %mul3A_4, %log3A : vector<1x1024xf32>
    %reduce_sum3A_8 = vector.shape_cast %mul3A_7 : vector<1x1024xf32> to vector<1x1x1024xf32>
    %reduce_sum3A_9 = arith.constant dense<0.000000e+00> : vector<1xf32>
    %reduce_sum3A_10 = vector.multi_reduction <add>, %reduce_sum3A_8, %reduce_sum3A_9 [1, 2] : vector<1x1x1024xf32> to vector<1xf32>
    %reduce_sum3A_11 = vector.shape_cast %reduce_sum3A_10 : vector<1xf32> to vector<1x1x1xf32>
    %reduce_sum3A_12 = vector.extract %reduce_sum3A_11[0, 0, 0] : f32 from vector<1x1x1xf32>
    %neg3A = arith.constant 0.000000e+00 : f32
    %neg3A_13 = arith.subf %neg3A, %reduce_sum3A_12 : f32
    %gt3A = arith.constant 9.99999997E-7 : f32
    %gt3A_14 = vector.broadcast %gt3A : f32 to vector<1x1024xf32>
    %gt3A_15 = arith.cmpf ogt, %mul3A_4, %gt3A_14 : vector<1x1024xf32>
    %convert_element_type3A = arith.extui %gt3A_15 : vector<1x1024xi1> to vector<1x1024xi32>
    %convert_element_type3A_16 = arith.sitofp %convert_element_type3A : vector<1x1024xi32> to vector<1x1024xf32>
    %reduce_sum3A_17 = vector.shape_cast %convert_element_type3A_16 : vector<1x1024xf32> to vector<1x1x1024xf32>
    %reduce_sum3A_18 = arith.constant dense<0.000000e+00> : vector<1xf32>
    %reduce_sum3A_19 = vector.multi_reduction <add>, %reduce_sum3A_17, %reduce_sum3A_18 [1, 2] : vector<1x1x1024xf32> to vector<1xf32>
    %reduce_sum3A_20 = vector.shape_cast %reduce_sum3A_19 : vector<1xf32> to vector<1x1x1xf32>
    %reduce_sum3A_21 = vector.extract %reduce_sum3A_20[0, 0, 0] : f32 from vector<1x1x1xf32>
    %div3A = arith.constant 1.024000e+03 : f32
    %div3A_22 = arith.divf %reduce_sum3A_21, %div3A : f32
    %get3A_23 = memref.load %arg1[] : memref<i32, #tpu.memory_space<smem>>
    %convert_element_type3A_24 = arith.sitofp %get3A_23 : i32 to f32
    %broadcast_in_dim3A_25 = vector.broadcast %convert_element_type3A_24 : f32 to vector<1x128xf32>
    %log3A_26 = math.log %broadcast_in_dim3A_25 : vector<1x128xf32>
    %reduce_sum3A_27 = vector.shape_cast %log3A_26 : vector<1x128xf32> to vector<1x1x128xf32>
    %reduce_sum3A_28 = arith.constant dense<0.000000e+00> : vector<1xf32>
    %reduce_sum3A_29 = vector.multi_reduction <add>, %reduce_sum3A_27, %reduce_sum3A_28 [1, 2] : vector<1x1x128xf32> to vector<1xf32>
    %reduce_sum3A_30 = vector.shape_cast %reduce_sum3A_29 : vector<1xf32> to vector<1x1x1xf32>
    %reduce_sum3A_31 = vector.extract %reduce_sum3A_30[0, 0, 0] : f32 from vector<1x1x1xf32>
    %mul3A_32 = arith.constant 7.812500e-03 : f32
    %mul3A_33 = arith.mulf %reduce_sum3A_31, %mul3A_32 : f32
    %get3A_34 = memref.load %arg0[] : memref<f32, #tpu.memory_space<smem>>
    %mul3A_35 = arith.constant 2.500000e-01 : f32
    %mul3A_36 = arith.mulf %mul3A_35, %get3A_34 : f32
    %div3A_37 = arith.divf %neg3A_13, %mul3A_33 : f32
    %mul3A_38 = arith.constant -1.000000e-01 : f32
    %mul3A_39 = arith.mulf %mul3A_38, %div3A_37 : f32
    %add3A_40 = arith.addf %mul3A_36, %mul3A_39 : f32
    %swap3A = memref.load %arg3[] : memref<f32, #tpu.memory_space<smem>>
    memref.store %add3A_40, %arg3[] : memref<f32, #tpu.memory_space<smem>>
    %swap3A_41 = memref.load %arg4[] : memref<f32, #tpu.memory_space<smem>>
    memref.store %mul3A_36, %arg4[] : memref<f32, #tpu.memory_space<smem>>
    %swap3A_42 = memref.load %arg5[] : memref<f32, #tpu.memory_space<smem>>
    memref.store %mul3A_39, %arg5[] : memref<f32, #tpu.memory_space<smem>>
    %swap3A_43 = memref.load %arg6[] : memref<f32, #tpu.memory_space<smem>>
    memref.store %div3A_22, %arg6[] : memref<f32, #tpu.memory_space<smem>>
    return
  }
}

</mosaic_0001>

<sc_bundles>
// kernel: kernel.4.cloned.1.call-start
scs
__scs_entry_jumppad:
0x0: {  	(pc) =	sbr.rel $0x88, $3  }
0x1: {  	(tag) =	ssettag $0x0;
	lr =	simm.s32 $0x1  }
0x2: {  	[smem:$0x3F9E] =	sst lr;
	_ =	strace $0xD0000000  }
0x3: {  	_ = 	snop  }
0x4: {  	_ = 	snop  }
0x5: {  	_ = 	snop  }
0x6: {  	_ = 	snop  }
0x7: {  	_ = 	snop  }
__scs_overlays_trampoline_lowered:
0x8: {  	[smem:$0x3FAD] =	sst s0  }
0x9: {  	[smem:$0x3FAE] =	sst s1  }
0xa: {  	[smem:$0x3FAF] =	sst s2  }
0xb: {  	[smem:$0x3FB0] =	sst s3  }
0xc: {  	[smem:$0x3FB1] =	sst s4  }
0xd: {  	[smem:$0x3FB2] =	sst s5  }
0xe: {  	[smem:$0x3FB3] =	sst s6  }
0xf: {  	[smem:$0x3FB4] =	sst s7  }
0x10: {  	[smem:$0x3FB5] =	sst s8  }
0x11: {  	[smem:$0x3FB6] =	sst s9;
	s0 =	simm.s32 @!p0 $0x0  }
0x12: {  	s1 =	sld [smem:$0x3F9C];
	s0 =	simm.s32 @p0 $0x1  }
0x13: {  	[smem:$0x3FB7] =	sst s0;
	s0 =	simm.s32 @!p1 $0x0  }
0x14: {  	s2 =	sld [smem:$0x3F9B];
	s0 =	simm.s32 @p1 $0x1  }
0x15: {  	[smem:$0x3FB8] =	sst s0;
	s0 =	simm.s32 @!p2 $0x0  }
0x16: {  	s3 =	sld [smem:$0x3FDB];
	s0 =	simm.s32 @p2 $0x1  }
0x17: {  	s4 =	simm.s32 $0x1BF5;
	[smem:$0x3FBA] =	sst s0  }
0x18: {  	s0 =	sld [smem:$0x3F9D];
	_ =	swait.ge [sflag:s4], $0x0  }
0x19: {  	s7 =	sld [smem:$0x3F9E]  }
0x1a: {  	s8 =	sadd.s32 $0xFFFFE003, lr  }
0x1b: {  	s9 =	sadd.s32 $0xFFFFFEF7, lr;
	s5 =	simm.s32 $0xFFFFFFFF;
	p2 =	slt.u32 s8, $0xFFFFF086  }
0x1c: {  	p1 =	slt.u32 s9, $0xF7A;
	s5 =	simm.s32 @!p2 $0x0  }
0x1d: {  	s5 =	simm.s32 @p1 $0x1;
	p0 =	seq.s32 s7, s2  }
0x1e: {  	s7 =	smul.u32 @!p0 $0xF7A, s2;
	p2 =	seq.s32 @!p0 s5, $0x0  }
0x1f: {  	s9 =	smul.u32 $0xF7A, s1;
	s8 =	simm.s32 @!p0 $0x1BF5;
	p2 =	por !p2, p0  }
0x20: {  	[sflag:s8] =	ssyncset.s32 @!p0 $0xFFFFF086;
	s6 =	sadd.s32 @!p0 s3, s7;
	s7 =	simm.s32 @!p0 $0x108  }
0x21: {  	s3 =	sadd.s32 s3, s9;
	s6 =	sadd.s32 @!p0 $0x88, s6;
	s7 =	simm.s32 @p2 $0x1082  }
0x22: {  	[simem:s7], [sflag:s8] =	dma.local @!p0 [hbm:s6], $0xF7A  }
0x23: {  	s9 =	sor.u32 $0xD0000000, s2;
	s6 =	simm.s32 $0x108;
	_ =	swait.ge @!p0 [sflag:s8], $0x0  }
0x24: {  	s3 =	sadd.s32 $0x88, s3;
	s6 =	simm.s32 @!p1 $0x1082;
	[sflag:s4] =	ssyncset.s32 $0xFFFFF086  }
0x25: {  	[simem:s6], [sflag:s4] =	dma.local [hbm:s3], $0xF7A  }
0x26: {  	[smem:$0x3F9E] =	sst s1;
	(tag) =	ssettag s2;
	_ =	strace s9  }
0x27: {  	s1 =	sld [smem:$0x3FAE]  }
0x28: {  	s2 =	sld [smem:$0x3FAF]  }
0x29: {  	s4 =	sld [smem:$0x3FB1]  }
0x2a: {  	p0 =	seq.s32 s5, $0x0;
	s5 =	sld [smem:$0x3FB2]  }
0x2b: {  	s6 =	sld [smem:$0x3FB3]  }
0x2c: {  	s7 =	sld [smem:$0x3FB4]  }
0x2d: {  	s3 =	simm.s32 $0x108;
	s8 =	sld [smem:$0x3FB5]  }
0x2e: {  	s3 =	simm.s32 @!p0 $0x1082;
	s9 =	sld [smem:$0x3FB6]  }
0x2f: {  	lr =	sadd.s32 s0, s3;
	s0 =	sld [smem:$0x3FAD]  }
0x30: {  	s3 =	sld [smem:$0x3FB0]  }
0x31: {  	[smem:$0x3FB9] =	sst s10  }
0x32: {  	s10 =	sld [smem:$0x3FB7];
	_ =	sdelay $0x3  }
0x33: {  	p0 =	seq.s32 s10, $0x1;
	s10 =	sld [smem:$0x3FB9];
	_ =	sdelay $0x3  }
0x34: {  	[smem:$0x3FB9] =	sst s10  }
0x35: {  	s10 =	sld [smem:$0x3FB8];
	_ =	sdelay $0x3  }
0x36: {  	p1 =	seq.s32 s10, $0x1;
	s10 =	sld [smem:$0x3FB9];
	_ =	sdelay $0x3  }
0x37: {  	[smem:$0x3FB9] =	sst s10  }
0x38: {  	s10 =	sld [smem:$0x3FBA]  }
0x39: {  	_ = 	snop;
	(pc) =	sbr.ind lr, $3  }
0x3a: {  	_ = 	snop  }
0x3b: {  	_ = 	snop  }
0x3c: {  	p2 =	seq.s32 s10, $0x1;
	s10 =	sld [smem:$0x3FB9]  }
0x3d: {  	_ =	shalt  }
0x3e: {  	_ =	shalt  }
0x3f: {  	_ =	shalt  }
0x40: {  	_ =	shalt  }
0x41: {  	_ =	shalt  }
0x42: {  	_ =	shalt  }
0x43: {  	_ =	shalt  }
0x44: {  	_ =	shalt  }
0x45: {  	_ =	shalt  }
0x46: {  	_ =	shalt  }
0x47: {  	_ =	shalt  }
0x48: {  	_ =	shalt  }
0x49: {  	_ =	shalt  }
0x4a: {  	_ =	shalt  }
0x4b: {  	_ =	shalt  }
0x4c: {  	_ =	shalt  }
0x4d: {  	_ =	shalt  }
0x4e: {  	_ =	shalt  }
0x4f: {  	_ =	shalt  }
0x50: {  	_ =	shalt  }
0x51: {  	_ =	shalt  }
0x52: {  	_ =	shalt  }
0x53: {  	_ =	shalt  }
0x54: {  	_ =	shalt  }
0x55: {  	_ =	shalt  }
0x56: {  	_ =	shalt  }
0x57: {  	_ =	shalt  }
0x58: {  	_ =	shalt  }
0x59: {  	_ =	shalt  }
0x5a: {  	_ =	shalt  }
0x5b: {  	_ =	shalt  }
0x5c: {  	_ =	shalt  }
0x5d: {  	_ =	shalt  }
0x5e: {  	_ =	shalt  }
0x5f: {  	_ =	shalt  }
0x60: {  	_ =	shalt  }
0x61: {  	_ =	shalt  }
0x62: {  	_ =	shalt  }
0x63: {  	_ =	shalt  }
0x64: {  	_ =	shalt  }
0x65: {  	_ =	shalt  }
0x66: {  	_ =	shalt  }
0x67: {  	_ =	shalt  }
0x68: {  	_ =	shalt  }
0x69: {  	_ =	shalt  }
0x6a: {  	_ =	shalt  }
0x6b: {  	_ =	shalt  }
0x6c: {  	_ =	shalt  }
0x6d: {  	_ =	shalt  }
0x6e: {  	_ =	shalt  }
0x6f: {  	_ =	shalt  }
0x70: {  	_ =	shalt  }
0x71: {  	_ =	shalt  }
0x72: {  	_ =	shalt  }
0x73: {  	_ =	shalt  }
0x74: {  	_ =	shalt  }
0x75: {  	_ =	shalt  }
0x76: {  	_ =	shalt  }
0x77: {  	_ =	shalt  }
0x78: {  	_ =	shalt  }
0x79: {  	_ =	shalt  }
0x7a: {  	_ =	shalt  }
0x7b: {  	_ =	shalt  }
0x7c: {  	_ =	shalt  }
0x7d: {  	_ =	shalt  }
0x7e: {  	_ =	shalt  }
0x7f: {  	_ =	shalt  }
0x80: {  	_ =	shalt  }
0x81: {  	_ =	shalt  }
0x82: {  	_ =	shalt  }
0x83: {  	_ =	shalt  }
0x84: {  	_ =	shalt  }
0x85: {  	_ =	shalt  }
0x86: {  	_ =	shalt  }
0x87: {  	_ =	shalt  }
.Lfunc_end0:
.L_simem_size_0:
called_computation_lowered:
.L_overlay_start_0:
0x88: {  	s0 =	sld [smem:$0x3FD9]  }
0x89: {  	s1 =	sld [smem:$0x3FFE];
	_ =	sdelay $0x3  }
0x8a: {  	s0 =	sadd.s32 s1, s0  }
0x8b: {  	[smem:$0x3FC5] =	sst s0  }
0x8c: {  	_ = 	snop  }
0x8d: {  	(tm) =	ssettm $0x1  }
0x8e: {  	s15 =	sld [smem:$0x3FFB];
	_ =	sdelay $0x3  }
0x8f: {  	_ =	strace s15  }
0x90: {  	s0 =	sld [smem:$0x3FFC];
	_ =	sdelay $0x3  }
0x91: {  	_ =	strace s0  }
0x92: {  	s0 =	sld [smem:$0x3FFD];
	_ =	sdelay $0x3  }
0x93: {  	_ =	strace s0  }
0x94: {  	_ =	strace $0x8FFFFFFF  }
0x95: {  	s16 =	sld [smem:$0x3FDB];
	_ =	sdelay $0x1  }
0x96: {  	s17 =	simm.s32 $_scs_section_size  }
0x97: {  	s2 =	simm.s32 $_size__tile_overlayer_lowered;
	s3 =	simm.s32 $_tile_overlayer_lowered  }
0x98: {  	s20 =	simm.s32 $0x1BFF;
	s19 =	sshll.u32 s3, $0x1;
	s0 =	sadd.s32 s17, s16  }
0x99: {  	s4 =	simm.s32 $0x0;
	s18 =	sshll.u32 s2, $0x1;
	s2 =	sadd.s32 s19, s0  }
0x9a: {  	[timem:s4], [sflag:s20] =	dma.local [hbm:s2], s18  }
0x9b: {  	_ =	swait.ge [sflag:s20], s18  }
0x9c: {  	s1 =	ssub.s32 $0x0, s18;
	[sflag:s20] =	ssyncset.done $0x0  }
0x9d: {  	[sflag:s20] =	ssyncadd.s32 s1;
	_ =	sdelay $0x1  }
0x9e: {  	s21 =	simm.s32 $0x1B8B  }
0x9f: {  	_ =	swait.ge [sflag:s21], $0x1  }
0xa0: {  	[sflag:s21] =	ssyncset.done $0x0  }
0xa1: {  	s23 =	simm.s32 $0x1B8E;
	s22 =	sld [smem:$0x3FFE];
	[sflag:s21] =	ssyncadd.s32 $0xFFFFFFFF  }
0xa2: {  	s24 =	simm.s32 $execute0_lowered;
	[smem:$0x3FD2] =	sst s23  }
0xa3: {  	s2 =	sshll.u32 s24, $0x1;
	_ =	strace $0x80000046;
	[dreg:$0x1] =	wrdreg $0xFFFFFFFF  }
0xa4: {  	s25 =	simm.s32 $_size_execute0_lowered;
	s0 =	sadd.s32 s0, s2;
	[dreg:$0x0] =	wrdreg $0x0  }
0xa5: {  	s2 =	sshll.u32 s25, $0x1;
	[dreg:$0x2] =	wrdreg s0  }
0xa6: {  	[dreg:$0x3] =	wrdreg s2  }
0xa7: {  	[dreg:$0x4] =	wrdreg $0xC0  }
0xa8: {  	_ =	task [dreg:s4], $0x5FFFF  }
0xa9: {  	[dreg:$0x1] =	wrdreg $0xFFFFFFFF  }
0xaa: {  	[dreg:$0x0] =	wrdreg $0x60  }
0xab: {  	[dreg:$0x2] =	wrdreg s22  }
0xac: {  	[dreg:$0x3] =	wrdreg $0x9  }
0xad: {  	_ =	task.clear_ibuf [dreg:s4], $0x4FFFF;
	_ =	strace $0x90000046  }
0xae: {  	s26 =	simm.s32 $0x9;
	_ =	strace $0x80000048  }
0xaf: {  	_ =	swait.ge [sflag:s26], $0x1  }
0xb0: {  	[sflag:s26] =	ssyncadd.s32 $0xFFFFFFFF  }
0xb1: {  	_ =	strace $0x90000048  }
0xb2: {  	_ =	sfence  }
0xb3: {  	s28 =	sld [smem:$0x0];
	_ =	sdelay $0x1  }
0xb4: {  	s29 =	srdreg.scid  }
0xb5: {  	s30 =	sshll.u32 s29, $0xD;
	s31 =	sshrl.u32 s29, $0x2  }
0xb6: {  	s1 =	sand.u32 $0x1, s29;
	s2 =	sand.u32 $0x4000, s30;
	s0 =	sadd.s32 s31, s28  }
0xb7: {  	s1 =	sor.u32 s2, s1;
	s0 =	sshll.u32 s0, $0x11  }
0xb8: {  	s0 =	sor.u32 s0, s1  }
0xb9: {  	s0 =	sadd.s32 $0x8F2B, s0  }
0xba: {  	[sflag:s0] =	ssyncadd.remote.s32 $0x1  }
0xbb: {  	_ =	sfence.sel $0xFFFF  }
0xbc: {  	[dreg:$0x0] =	wrdreg $0xFFFFFFFF;
	(pc) =	sbr.abs _section_cstart, $3  }
0xbd: {  	[dreg:$0x1] =	wrdreg $0xFFFFFFFF  }
0xbe: {  	_ =	task.clear_ibuf [dreg:s4], $0x2FFFF;
	_ =	strace $0x9FFFFFFF  }
0xbf: {  	(tm) =	ssettm $0x7FFFFFFF  }
tec
execute0_lowered:
.L_overlay_start_1:
0x0: {  	(tag) =	ssettag $0x1  }
0x1: {  	s1 =	stileid.u32  }
0x2: {  	s2 =	rddreg [dreg:$0x0];
	s3 =	simm.s32 $0x0;
	s4 =	sshll.u32 s1, $0x9  }
0x3: {  	[smem:$0x7FF] =	sst s3;
	s4 =	sadd.s32 s4, s2  }
0x4: {  	s0 =	rddreg [dreg:$0x1];
	_ =	strace $0x80000047;
	s4 =	sadd.s32 $0x600, s4  }
0x5: {  	v0 =	vimm.f32 $0.0e+00;
	[tilespmem:s3], [sflag:$0x1] =	stream.linear.gather [hbm4b:s4+s3], $0x1000, $0x38;
	[tilespmem:$0x1800] =	vst v63  }
0x6: {  	[tilespmem:$0x1000] =	vst v0  }
0x7: {  	[tilespmem:$0x1400] =	vst v0  }
0x8: {  	[tilespmem:$0x1010] =	vst v0  }
0x9: {  	[tilespmem:$0x1410] =	vst v0  }
0xa: {  	[tilespmem:$0x1020] =	vst v0  }
0xb: {  	[tilespmem:$0x1420] =	vst v0  }
0xc: {  	[tilespmem:$0x1030] =	vst v0  }
0xd: {  	[tilespmem:$0x1430] =	vst v0  }
0xe: {  	[tilespmem:$0x1040] =	vst v0  }
0xf: {  	[tilespmem:$0x1440] =	vst v0  }
0x10: {  	[tilespmem:$0x1050] =	vst v0  }
0x11: {  	[tilespmem:$0x1450] =	vst v0  }
0x12: {  	[tilespmem:$0x1060] =	vst v0  }
0x13: {  	[tilespmem:$0x1460] =	vst v0  }
0x14: {  	[tilespmem:$0x1070] =	vst v0  }
0x15: {  	[tilespmem:$0x1470] =	vst v0  }
0x16: {  	[tilespmem:$0x1080] =	vst v0  }
0x17: {  	[tilespmem:$0x1480] =	vst v0  }
0x18: {  	[tilespmem:$0x1090] =	vst v0  }
0x19: {  	[tilespmem:$0x1490] =	vst v0  }
0x1a: {  	[tilespmem:$0x10A0] =	vst v0  }
0x1b: {  	[tilespmem:$0x14A0] =	vst v0  }
0x1c: {  	[tilespmem:$0x10B0] =	vst v0  }
0x1d: {  	[tilespmem:$0x14B0] =	vst v0  }
0x1e: {  	[tilespmem:$0x10C0] =	vst v0  }
0x1f: {  	[tilespmem:$0x14C0] =	vst v0  }
0x20: {  	[tilespmem:$0x10D0] =	vst v0  }
0x21: {  	[tilespmem:$0x14D0] =	vst v0  }
0x22: {  	[tilespmem:$0x10E0] =	vst v0  }
0x23: {  	[tilespmem:$0x14E0] =	vst v0  }
0x24: {  	[tilespmem:$0x10F0] =	vst v0  }
0x25: {  	[tilespmem:$0x14F0] =	vst v0  }
0x26: {  	[tilespmem:$0x1100] =	vst v0  }
0x27: {  	[tilespmem:$0x1500] =	vst v0  }
0x28: {  	[tilespmem:$0x1110] =	vst v0  }
0x29: {  	[tilespmem:$0x1510] =	vst v0  }
0x2a: {  	[tilespmem:$0x1120] =	vst v0  }
0x2b: {  	[tilespmem:$0x1520] =	vst v0  }
0x2c: {  	[tilespmem:$0x1130] =	vst v0  }
0x2d: {  	[tilespmem:$0x1530] =	vst v0  }
0x2e: {  	[tilespmem:$0x1140] =	vst v0  }
0x2f: {  	[tilespmem:$0x1540] =	vst v0  }
0x30: {  	[tilespmem:$0x1150] =	vst v0  }
0x31: {  	[tilespmem:$0x1550] =	vst v0  }
0x32: {  	[tilespmem:$0x1160] =	vst v0  }
0x33: {  	[tilespmem:$0x1560] =	vst v0  }
0x34: {  	[tilespmem:$0x1170] =	vst v0  }
0x35: {  	[tilespmem:$0x1570] =	vst v0  }
0x36: {  	[tilespmem:$0x1180] =	vst v0  }
0x37: {  	[tilespmem:$0x1580] =	vst v0  }
0x38: {  	[tilespmem:$0x1190] =	vst v0  }
0x39: {  	[tilespmem:$0x1590] =	vst v0  }
0x3a: {  	[tilespmem:$0x11A0] =	vst v0  }
0x3b: {  	[tilespmem:$0x15A0] =	vst v0  }
0x3c: {  	[tilespmem:$0x11B0] =	vst v0  }
0x3d: {  	[tilespmem:$0x15B0] =	vst v0  }
0x3e: {  	[tilespmem:$0x11C0] =	vst v0  }
0x3f: {  	[tilespmem:$0x15C0] =	vst v0  }
0x40: {  	[tilespmem:$0x11D0] =	vst v0  }
0x41: {  	[tilespmem:$0x15D0] =	vst v0  }
0x42: {  	[tilespmem:$0x11E0] =	vst v0  }
0x43: {  	[tilespmem:$0x15E0] =	vst v0  }
0x44: {  	[tilespmem:$0x11F0] =	vst v0  }
0x45: {  	[tilespmem:$0x15F0] =	vst v0  }
0x46: {  	[tilespmem:$0x1200] =	vst v0  }
0x47: {  	[tilespmem:$0x1600] =	vst v0  }
0x48: {  	[tilespmem:$0x1210] =	vst v0  }
0x49: {  	[tilespmem:$0x1610] =	vst v0  }
0x4a: {  	[tilespmem:$0x1220] =	vst v0  }
0x4b: {  	[tilespmem:$0x1620] =	vst v0  }
0x4c: {  	[tilespmem:$0x1230] =	vst v0  }
0x4d: {  	[tilespmem:$0x1630] =	vst v0  }
0x4e: {  	[tilespmem:$0x1240] =	vst v0  }
0x4f: {  	[tilespmem:$0x1640] =	vst v0  }
0x50: {  	[tilespmem:$0x1250] =	vst v0  }
0x51: {  	[tilespmem:$0x1650] =	vst v0  }
0x52: {  	[tilespmem:$0x1260] =	vst v0  }
0x53: {  	[tilespmem:$0x1660] =	vst v0  }
0x54: {  	[tilespmem:$0x1270] =	vst v0  }
0x55: {  	[tilespmem:$0x1670] =	vst v0  }
0x56: {  	[tilespmem:$0x1280] =	vst v0  }
0x57: {  	[tilespmem:$0x1680] =	vst v0  }
0x58: {  	[tilespmem:$0x1290] =	vst v0  }
0x59: {  	[tilespmem:$0x1690] =	vst v0  }
0x5a: {  	[tilespmem:$0x12A0] =	vst v0  }
0x5b: {  	[tilespmem:$0x16A0] =	vst v0  }
0x5c: {  	[tilespmem:$0x12B0] =	vst v0  }
0x5d: {  	[tilespmem:$0x16B0] =	vst v0  }
0x5e: {  	[tilespmem:$0x12C0] =	vst v0  }
0x5f: {  	[tilespmem:$0x16C0] =	vst v0  }
0x60: {  	[tilespmem:$0x12D0] =	vst v0  }
0x61: {  	[tilespmem:$0x16D0] =	vst v0  }
0x62: {  	[tilespmem:$0x12E0] =	vst v0  }
0x63: {  	[tilespmem:$0x16E0] =	vst v0  }
0x64: {  	[tilespmem:$0x12F0] =	vst v0  }
0x65: {  	[tilespmem:$0x16F0] =	vst v0  }
0x66: {  	[tilespmem:$0x1300] =	vst v0  }
0x67: {  	[tilespmem:$0x1700] =	vst v0  }
0x68: {  	[tilespmem:$0x1310] =	vst v0  }
0x69: {  	[tilespmem:$0x1710] =	vst v0  }
0x6a: {  	[tilespmem:$0x1320] =	vst v0  }
0x6b: {  	[tilespmem:$0x1720] =	vst v0  }
0x6c: {  	[tilespmem:$0x1330] =	vst v0  }
0x6d: {  	[tilespmem:$0x1730] =	vst v0  }
0x6e: {  	[tilespmem:$0x1340] =	vst v0  }
0x6f: {  	[tilespmem:$0x1740] =	vst v0  }
0x70: {  	[tilespmem:$0x1350] =	vst v0  }
0x71: {  	[tilespmem:$0x1750] =	vst v0  }
0x72: {  	[tilespmem:$0x1360] =	vst v0  }
0x73: {  	[tilespmem:$0x1760] =	vst v0  }
0x74: {  	[tilespmem:$0x1370] =	vst v0  }
0x75: {  	[tilespmem:$0x1770] =	vst v0  }
0x76: {  	[tilespmem:$0x1380] =	vst v0  }
0x77: {  	[tilespmem:$0x1780] =	vst v0  }
0x78: {  	[tilespmem:$0x1390] =	vst v0  }
0x79: {  	[tilespmem:$0x1790] =	vst v0  }
0x7a: {  	[tilespmem:$0x13A0] =	vst v0  }
0x7b: {  	[tilespmem:$0x17A0] =	vst v0  }
0x7c: {  	[tilespmem:$0x13B0] =	vst v0  }
0x7d: {  	[tilespmem:$0x17B0] =	vst v0  }
0x7e: {  	[tilespmem:$0x13C0] =	vst v0  }
0x7f: {  	[tilespmem:$0x17C0] =	vst v0  }
0x80: {  	[tilespmem:$0x13D0] =	vst v0  }
0x81: {  	[tilespmem:$0x17D0] =	vst v0  }
0x82: {  	[tilespmem:$0x13E0] =	vst v0  }
0x83: {  	[tilespmem:$0x17E0] =	vst v0  }
0x84: {  	[tilespmem:$0x13F0] =	vst v0  }
0x85: {  	s31 =	simm.s32 $0x1;
	[tilespmem:$0x17F0] =	vst v0  }
0x86: {  	s5 =	simm.s32 $0x1000;
	_ =	swait.ge [sflag:s31], $0x1000  }
0x87: {  	s6 =	simm.s32 $0x1400;
	s2 =	sadd.s32 $0x2600, s2;
	[sflag:s31] =	ssyncset.done $0x0  }
0x88: {  	s3 =	simm.s32 $0xFFFFFFF8;
	s4 =	simm.s32 $0x80;
	v0 =	vimm.f32 $1.000000000e+00;
	[sflag:s31] =	ssyncadd.s32 $0xFFFFF000  }
.LBB2_1:
0x89: {  	v1 =	vld [tilespmem:s4+$0xFFFFFF80]  }
0x8a: {  	v2 =	vld [tilespmem:s4+$0xFFFFFF90];
	_ =	sdelay $0x6  }
0x8b: {  	[tilespmem:v1+s5+$0x0] =	vst.idx.add.f32.msk $0xffff, v0  }
0x8c: {  	[tilespmem:v2+s6+$0x0] =	vst.idx.add.f32.msk $0xffff, v0  }
0x8d: {  	v1 =	vld [tilespmem:s4+$0xFFFFFFA0]  }
0x8e: {  	v2 =	vld [tilespmem:s4+$0xFFFFFFB0];
	_ =	sdelay $0x6  }
0x8f: {  	[tilespmem:v1+s5+$0x0] =	vst.idx.add.f32.msk $0xffff, v0  }
0x90: {  	[tilespmem:v2+s6+$0x0] =	vst.idx.add.f32.msk $0xffff, v0  }
0x91: {  	v1 =	vld [tilespmem:s4+$0xFFFFFFC0]  }
0x92: {  	v2 =	vld [tilespmem:s4+$0xFFFFFFD0];
	_ =	sdelay $0x6  }
0x93: {  	[tilespmem:v1+s5+$0x0] =	vst.idx.add.f32.msk $0xffff, v0  }
0x94: {  	[tilespmem:v2+s6+$0x0] =	vst.idx.add.f32.msk $0xffff, v0  }
0x95: {  	v1 =	vld [tilespmem:s4+$0xFFFFFFE0]  }
0x96: {  	v2 =	vld [tilespmem:s4+$0xFFFFFFF0];
	_ =	sdelay $0x6  }
0x97: {  	[tilespmem:v1+s5+$0x0] =	vst.idx.add.f32.msk $0xffff, v0  }
0x98: {  	[tilespmem:v2+s6+$0x0] =	vst.idx.add.f32.msk $0xffff, v0  }
0x99: {  	v1 =	vld [tilespmem:s4+$0x0]  }
0x9a: {  	v2 =	vld [tilespmem:s4+$0x10];
	_ =	sdelay $0x6  }
0x9b: {  	[tilespmem:v1+s5+$0x0] =	vst.idx.add.f32.msk $0xffff, v0  }
0x9c: {  	[tilespmem:v2+s6+$0x0] =	vst.idx.add.f32.msk $0xffff, v0  }
0x9d: {  	v1 =	vld [tilespmem:s4+$0x20]  }
0x9e: {  	v2 =	vld [tilespmem:s4+$0x30];
	_ =	sdelay $0x6  }
0x9f: {  	[tilespmem:v1+s5+$0x0] =	vst.idx.add.f32.msk $0xffff, v0  }
0xa0: {  	[tilespmem:v2+s6+$0x0] =	vst.idx.add.f32.msk $0xffff, v0  }
0xa1: {  	v1 =	vld [tilespmem:s4+$0x40]  }
0xa2: {  	v2 =	vld [tilespmem:s4+$0x50];
	_ =	sdelay $0x6  }
0xa3: {  	[tilespmem:v1+s5+$0x0] =	vst.idx.add.f32.msk $0xffff, v0  }
0xa4: {  	[tilespmem:v2+s6+$0x0] =	vst.idx.add.f32.msk $0xffff, v0  }
0xa5: {  	v1 =	vld [tilespmem:s4+$0x60]  }
0xa6: {  	v2 =	vld [tilespmem:s4+$0x70];
	_ =	sdelay $0x1  }
0xa7: {  	s3 =	sadd.s32 $0x8, s3  }
0xa8: {  	p0 =	slt.u32 s3, $0x78  }
.Ltmp0:
0xa9: {  	_ = 	snop;
	(pc) =	sbr.rel @p0 .LBB2_1-.Ltmp0, $3  }
0xaa: {  	_ =	sdelay $0x1  }
0xab: {  	[tilespmem:v1+s5+$0x0] =	vst.idx.add.f32.msk $0xffff, v0  }
0xac: {  	s4 =	sadd.s32 $0x100, s4;
	[tilespmem:v2+s6+$0x0] =	vst.idx.add.f32.msk $0xffff, v0  }
0xad: {  	v0 =	vld [tilespmem:$0x1000]  }
0xae: {  	v1 =	vld [tilespmem:$0x1400]  }
0xaf: {  	v2 =	vld [tilespmem:$0x1010]  }
0xb0: {  	v3 =	vld [tilespmem:$0x1410]  }
0xb1: {  	v4 =	vld [tilespmem:$0x1020]  }
0xb2: {  	v5 =	vld [tilespmem:$0x1420]  }
0xb3: {  	v6 =	vld [tilespmem:$0x1030]  }
0xb4: {  	v7 =	vld [tilespmem:$0x1430]  }
0xb5: {  	v8 =	vld [tilespmem:$0x1040]  }
0xb6: {  	v9 =	vld [tilespmem:$0x1440]  }
0xb7: {  	v10 =	vld [tilespmem:$0x1050]  }
0xb8: {  	v11 =	vld [tilespmem:$0x1450]  }
0xb9: {  	v12 =	vld [tilespmem:$0x1060]  }
0xba: {  	v13 =	vld [tilespmem:$0x1460]  }
0xbb: {  	v14 =	vld [tilespmem:$0x1070]  }
0xbc: {  	v15 =	vld [tilespmem:$0x1470]  }
0xbd: {  	v16 =	vld [tilespmem:$0x1080]  }
0xbe: {  	v17 =	vld [tilespmem:$0x1480]  }
0xbf: {  	v18 =	vld [tilespmem:$0x1090]  }
0xc0: {  	v19 =	vld [tilespmem:$0x1490]  }
0xc1: {  	v20 =	vld [tilespmem:$0x10A0]  }
0xc2: {  	v21 =	vld [tilespmem:$0x14A0]  }
0xc3: {  	v22 =	vld [tilespmem:$0x10B0]  }
0xc4: {  	v23 =	vld [tilespmem:$0x14B0]  }
0xc5: {  	v24 =	vld [tilespmem:$0x10C0]  }
0xc6: {  	v25 =	vld [tilespmem:$0x14C0]  }
0xc7: {  	v26 =	vld [tilespmem:$0x10D0]  }
0xc8: {  	v27 =	vld [tilespmem:$0x14D0]  }
0xc9: {  	v28 =	vld [tilespmem:$0x10E0]  }
0xca: {  	v29 =	vld [tilespmem:$0x14E0]  }
0xcb: {  	v30 =	vld [tilespmem:$0x10F0]  }
0xcc: {  	v31 =	vld [tilespmem:$0x14F0]  }
0xcd: {  	v32 =	vld [tilespmem:$0x1100]  }
0xce: {  	v33 =	vld [tilespmem:$0x1500]  }
0xcf: {  	v34 =	vld [tilespmem:$0x1110]  }
0xd0: {  	v35 =	vld [tilespmem:$0x1510]  }
0xd1: {  	v36 =	vld [tilespmem:$0x1120]  }
0xd2: {  	v37 =	vld [tilespmem:$0x1520]  }
0xd3: {  	v38 =	vld [tilespmem:$0x1130]  }
0xd4: {  	v39 =	vld [tilespmem:$0x1530]  }
0xd5: {  	v40 =	vld [tilespmem:$0x1140]  }
0xd6: {  	v41 =	vld [tilespmem:$0x1540]  }
0xd7: {  	v42 =	vld [tilespmem:$0x1150]  }
0xd8: {  	v43 =	vld [tilespmem:$0x1550]  }
0xd9: {  	v44 =	vld [tilespmem:$0x1160]  }
0xda: {  	v45 =	vld [tilespmem:$0x1560]  }
0xdb: {  	v46 =	vld [tilespmem:$0x1170]  }
0xdc: {  	v47 =	vld [tilespmem:$0x1570]  }
0xdd: {  	v48 =	vld [tilespmem:$0x1180]  }
0xde: {  	v49 =	vld [tilespmem:$0x1580]  }
0xdf: {  	v50 =	vld [tilespmem:$0x1190]  }
0xe0: {  	v51 =	vld [tilespmem:$0x1590]  }
0xe1: {  	v52 =	vld [tilespmem:$0x11A0]  }
0xe2: {  	v53 =	vld [tilespmem:$0x15A0]  }
0xe3: {  	v54 =	vld [tilespmem:$0x11B0]  }
0xe4: {  	v55 =	vld [tilespmem:$0x15B0]  }
0xe5: {  	v56 =	vld [tilespmem:$0x11C0]  }
0xe6: {  	v57 =	vld [tilespmem:$0x15C0]  }
0xe7: {  	v58 =	vld [tilespmem:$0x11D0]  }
0xe8: {  	v62 =	vld [tilespmem:$0x11F0]  }
0xe9: {  	v59 =	vld [tilespmem:$0x15D0]  }
0xea: {  	v60 =	vld [tilespmem:$0x11E0]  }
0xeb: {  	v61 =	vld [tilespmem:$0x15E0]  }
0xec: {  	v63 =	vld [tilespmem:$0x15F0]  }
0xed: {  	[tilespmem:$0x1FFA0] =	vst v62;
	v62 =	vld [tilespmem:$0x1200]  }
0xee: {  	v0 =	vadd.f32 v1, v0;
	v1 =	vld [tilespmem:$0x1620]  }
0xef: {  	v2 =	vadd.f32 v3, v2;
	v3 =	vld [tilespmem:$0x1230]  }
0xf0: {  	v9 =	vadd.f32 v9, v8;
	v8 =	vld [tilespmem:$0x1650]  }
0xf1: {  	v13 =	vadd.f32 v13, v12;
	v12 =	vld [tilespmem:$0x1670]  }
0xf2: {  	v15 =	vadd.f32 v15, v14;
	v14 =	vld [tilespmem:$0x1680]  }
0xf3: {  	v17 =	vadd.f32 v17, v16;
	v16 =	vld [tilespmem:$0x1690]  }
0xf4: {  	v19 =	vadd.f32 v19, v18;
	v18 =	vld [tilespmem:$0x16A0]  }
0xf5: {  	v23 =	vadd.f32 v23, v22;
	v22 =	vld [tilespmem:$0x16C0];
	[tilespmem:$0x1000] =	vst v0  }
0xf6: {  	v25 =	vadd.f32 v25, v24;
	v24 =	vld [tilespmem:$0x16D0];
	[tilespmem:$0x1010] =	vst v2  }
0xf7: {  	v21 =	vadd.f32 v21, v20;
	v27 =	vadd.f32 v27, v26;
	v26 =	vld [tilespmem:$0x16E0];
	[tilespmem:$0x1040] =	vst v9  }
0xf8: {  	v31 =	vadd.f32 v31, v30;
	v30 =	vadd.f32 v45, v44;
	v45 =	vld [tilespmem:$0x1730];
	[tilespmem:$0x1060] =	vst v13  }
0xf9: {  	v33 =	vadd.f32 v33, v32;
	v32 =	vadd.f32 v49, v48;
	v49 =	vld [tilespmem:$0x1740];
	[tilespmem:$0x1070] =	vst v15  }
0xfa: {  	v35 =	vadd.f32 v35, v34;
	v34 =	vadd.f32 v53, v52;
	v53 =	vld [tilespmem:$0x1750];
	[tilespmem:$0x1080] =	vst v17  }
0xfb: {  	v37 =	vadd.f32 v37, v36;
	v36 =	vadd.f32 v57, v56;
	v57 =	vld [tilespmem:$0x1760];
	[tilespmem:$0x1090] =	vst v19  }
0xfc: {  	v0 =	vadd.f32 v5, v4;
	v4 =	vld [tilespmem:$0x1630];
	[tilespmem:$0x10A0] =	vst v21  }
0xfd: {  	v5 =	vld [tilespmem:$0x1240];
	[tilespmem:$0x10B0] =	vst v23  }
0xfe: {  	v29 =	vadd.f32 v29, v28;
	v9 =	vld [tilespmem:$0x1260];
	[tilespmem:$0x10C0] =	vst v25  }
0xff: {  	v13 =	vld [tilespmem:$0x1280];
	[tilespmem:$0x10D0] =	vst v27  }
0x100: {  	v15 =	vld [tilespmem:$0x1290];
	[tilespmem:$0x10E0] =	vst v29  }
0x101: {  	v17 =	vld [tilespmem:$0x12A0];
	[tilespmem:$0x10F0] =	vst v31  }
0x102: {  	v19 =	vld [tilespmem:$0x12B0];
	[tilespmem:$0x1100] =	vst v33  }
0x103: {  	v28 =	vadd.f32 v41, v40;
	[tilespmem:$0x1110] =	vst v35;
	v21 =	vld [tilespmem:$0x12C0]  }
0x104: {  	[tilespmem:$0x1120] =	vst v37;
	v23 =	vld [tilespmem:$0x12D0]  }
0x105: {  	[tilespmem:$0x1140] =	vst v28;
	v25 =	vld [tilespmem:$0x12E0]  }
0x106: {  	[tilespmem:$0x1160] =	vst v30;
	v28 =	vld [tilespmem:$0x16F0]  }
0x107: {  	[tilespmem:$0x1180] =	vst v32;
	v30 =	vld [tilespmem:$0x1700]  }
0x108: {  	[tilespmem:$0x11A0] =	vst v34;
	v32 =	vld [tilespmem:$0x1710]  }
0x109: {  	v27 =	vadd.f32 v39, v38;
	[tilespmem:$0x11C0] =	vst v36;
	v39 =	vld [tilespmem:$0x1FFA0]  }
0x10a: {  	v34 =	vld [tilespmem:$0x1720];
	[tilespmem:$0x1020] =	vst v0  }
0x10b: {  	v29 =	vadd.f32 v43, v42;
	v31 =	vadd.f32 v47, v46;
	v47 =	vld [tilespmem:$0x1340];
	[tilespmem:$0x1130] =	vst v27  }
0x10c: {  	[tilespmem:$0x1FFB0] =	vst v62;
	v62 =	vld [tilespmem:$0x1600]  }
0x10d: {  	v33 =	vadd.f32 v51, v50;
	v51 =	vld [tilespmem:$0x1350];
	[tilespmem:$0x1150] =	vst v29  }
0x10e: {  	v35 =	vadd.f32 v55, v54;
	v55 =	vld [tilespmem:$0x1360];
	[tilespmem:$0x1170] =	vst v31  }
0x10f: {  	v37 =	vadd.f32 v59, v58;
	v59 =	vld [tilespmem:$0x1370];
	[tilespmem:$0x1190] =	vst v33  }
0x110: {  	v38 =	vadd.f32 v61, v60;
	v61 =	vld [tilespmem:$0x1770];
	[tilespmem:$0x11B0] =	vst v35  }
0x111: {  	[tilespmem:$0x1FFC0] =	vst v62;
	v62 =	vld [tilespmem:$0x1210]  }
0x112: {  	v27 =	vld [tilespmem:$0x12F0];
	[tilespmem:$0x11D0] =	vst v37;
	v2 =	vadd.f32 v63, v39  }
0x113: {  	v29 =	vld [tilespmem:$0x1300];
	[tilespmem:$0x11E0] =	vst v38;
	v46 =	vadd.f32 v4, v3  }
0x114: {  	v31 =	vld [tilespmem:$0x1310];
	[tilespmem:$0x11F0] =	vst v2  }
0x115: {  	v33 =	vld [tilespmem:$0x1320];
	v56 =	vadd.f32 v14, v13;
	[tilespmem:$0x1230] =	vst v46  }
0x116: {  	v58 =	vadd.f32 v16, v15;
	[tilespmem:$0x1FFD0] =	vst v62;
	v62 =	vld [tilespmem:$0x1610]  }
0x117: {  	v35 =	vld [tilespmem:$0x1330];
	v60 =	vadd.f32 v18, v17;
	[tilespmem:$0x1280] =	vst v56  }
0x118: {  	v37 =	vld [tilespmem:$0x13A0];
	v21 =	vadd.f32 v22, v21;
	[tilespmem:$0x1290] =	vst v58  }
0x119: {  	v40 =	vld [tilespmem:$0x1FFB0];
	[tilespmem:$0x12A0] =	vst v60  }
0x11a: {  	v23 =	vadd.f32 v24, v23;
	[tilespmem:$0x12C0] =	vst v21;
	v41 =	vld [tilespmem:$0x1FFC0]  }
0x11b: {  	v25 =	vadd.f32 v26, v25;
	[tilespmem:$0x1FFE0] =	vst v62;
	v62 =	vld [tilespmem:$0x1220]  }
0x11c: {  	[tilespmem:$0x12D0] =	vst v23;
	v36 =	vadd.f32 v28, v27;
	v42 =	vld [tilespmem:$0x1FFD0]  }
0x11d: {  	[tilespmem:$0x12E0] =	vst v25;
	v38 =	vadd.f32 v30, v29;
	v43 =	vld [tilespmem:$0x1FFE0]  }
0x11e: {  	v63 =	vld [tilespmem:$0x1380];
	[tilespmem:$0x12F0] =	vst v36  }
0x11f: {  	v22 =	vld [tilespmem:$0x1780];
	[tilespmem:$0x1300] =	vst v38;
	v0 =	vadd.f32 v41, v40  }
0x120: {  	v40 =	vadd.f32 v32, v31;
	[tilespmem:$0x1FFF0] =	vst v62;
	v62 =	vadd.f32 v7, v6;
	v6 =	vld [tilespmem:$0x1640]  }
0x121: {  	[tilespmem:$0x1200] =	vst v0;
	v7 =	vld [tilespmem:$0x1250]  }
0x122: {  	[tilespmem:$0x1310] =	vst v40;
	v2 =	vadd.f32 v43, v42;
	v44 =	vld [tilespmem:$0x1FFF0]  }
0x123: {  	v24 =	vld [tilespmem:$0x1390];
	v42 =	vadd.f32 v34, v33;
	[tilespmem:$0x1030] =	vst v62  }
0x124: {  	v26 =	vld [tilespmem:$0x1790];
	v62 =	vadd.f32 v11, v10;
	[tilespmem:$0x1210] =	vst v2  }
0x125: {  	v39 =	vld [tilespmem:$0x17A0];
	[tilespmem:$0x1320] =	vst v42;
	v48 =	vadd.f32 v6, v5  }
0x126: {  	v46 =	vld [tilespmem:$0x17C0];
	[tilespmem:$0x1050] =	vst v62;
	v50 =	vadd.f32 v8, v7  }
0x127: {  	v56 =	vld [tilespmem:$0x13F0];
	v0 =	vadd.f32 v1, v44;
	[tilespmem:$0x1240] =	vst v48  }
0x128: {  	v58 =	vld [tilespmem:$0x17F0];
	v1 =	vadd.f32 v45, v35;
	[tilespmem:$0x1250] =	vst v50  }
0x129: {  	v41 =	vld [tilespmem:$0x13B0];
	v45 =	vadd.f32 v49, v47;
	[tilespmem:$0x1220] =	vst v0  }
0x12a: {  	v10 =	vld [tilespmem:$0x1660];
	v47 =	vadd.f32 v53, v51;
	[tilespmem:$0x1330] =	vst v1  }
0x12b: {  	v11 =	vld [tilespmem:$0x1270];
	v49 =	vadd.f32 v57, v55;
	[tilespmem:$0x1340] =	vst v45  }
0x12c: {  	v43 =	vld [tilespmem:$0x17B0];
	v51 =	vadd.f32 v61, v59;
	[tilespmem:$0x1350] =	vst v47  }
0x12d: {  	v62 =	vld [tilespmem:$0x16B0];
	v53 =	vadd.f32 v22, v63;
	[tilespmem:$0x1360] =	vst v49  }
0x12e: {  	v44 =	vld [tilespmem:$0x13C0];
	v55 =	vadd.f32 v26, v24;
	[tilespmem:$0x1370] =	vst v51  }
0x12f: {  	v52 =	vadd.f32 v10, v9;
	v48 =	vld [tilespmem:$0x13D0];
	[tilespmem:$0x1380] =	vst v53  }
0x130: {  	v54 =	vadd.f32 v12, v11;
	v50 =	vld [tilespmem:$0x17D0];
	[tilespmem:$0x1390] =	vst v55  }
0x131: {  	v57 =	vadd.f32 v39, v37;
	[tilespmem:$0x1260] =	vst v52;
	v52 =	vld [tilespmem:$0x13E0]  }
0x132: {  	v59 =	vadd.f32 v43, v41;
	[tilespmem:$0x1270] =	vst v54;
	v54 =	vld [tilespmem:$0x17E0]  }
0x133: {  	v63 =	vadd.f32 v58, v56;
	[tilespmem:$0x13A0] =	vst v57  }
0x134: {  	[tilespmem:$0x13B0] =	vst v59;
	v62 =	vadd.f32 v62, v19  }
0x135: {  	[tilespmem:$0x13F0] =	vst v63;
	v60 =	vadd.f32 v46, v44  }
0x136: {  	s3 =	sshll.u32 s1, $0x4;
	[tilespmem:$0x12B0] =	vst v62;
	v61 =	vadd.f32 v50, v48  }
0x137: {  	s4 =	sshll.u32 s1, $0x7;
	s29 =	simm.s32 $0x80;
	s3 =	sand.u32 $0x70, s3;
	[tilespmem:$0x13C0] =	vst v60;
	v62 =	vadd.f32 v54, v52  }
0x138: {  	s30 =	simm.s32 $0x400;
	s4 =	sand.u32 $0x400, s4;
	s2 =	sadd.s32 s2, s3;
	[tilespmem:$0x13D0] =	vst v61  }
0x139: {  	s5 =	simm.s32 $0x1000;
	s31 =	simm.s32 $0x2;
	s2 =	sadd.s32 s4, s2;
	[tilespmem:$0x13E0] =	vst v62  }
0x13a: {  	[hbm4b:s2+s29] =	stream.strided.scatter [tilespmem:s5], [sflag:$0x2], $0x400, s30, s29, $0x38;
	[tilespmem:$0x1800] =	vst v63  }
0x13b: {  	_ =	swait.ge [sflag:s31], $0x400  }
0x13c: {  	[sflag:s31] =	ssyncset.done $0x0  }
0x13d: {  	[sflag:s31] =	ssyncadd.s32 $0xFFFFFC00  }
0x13e: {  	_ =	sfence.sel $0x180000  }
0x13f: {  	[bflag:$0x0] =	sbarrier.arrive $0xFFFF  }
0x140: {  	p0 =	sne.s32 s1, $0x0;
	_ =	strace $0x90000047  }
0x141: {  	s0 =	sadd.s32 @!p0 $0x100000, s0;
	[bflag:$0x2] =	sbarrier.arrive $0xFFFF  }
0x142: {  	[sflag:s0] =	ssyncadd.tile.s32 @!p0 $0x1;
	_ =	shalt  }
.Lfunc_end2:
_tile_overlayer_lowered:
.L_overlay_start_2:
0x143: {  	(tag) =	ssettag $0x2  }
0x144: {  	s0 =	rddreg [dreg:$0x0];
	s2 =	stileid.u32  }
0x145: {  	s1 =	rddreg [dreg:$0x1];
	p0 =	sne.s32 s2, $0x0  }
0x146: {  	s3 =	rddreg [dreg:$0x2];
	[bflag:$0x3] =	sbarrier.arrive $0xFFFF;
	s2 =	simm.s32 @!p0 $0x1C02  }
0x147: {  	[timem:s3], [sflag:s2] =	dma.local @!p0 [hbm:s0], s1  }
0x148: {  	s0 =	simm.s32 @!p0 $0x2  }
0x149: {  	_ =	swait.ge @!p0 [sflag:s0], s1  }
0x14a: {  	s1 =	ssub.s32 @!p0 $0x0, s1;
	[sflag:s0] =	ssyncset.done @!p0 $0x0  }
0x14b: {  	[sflag:s0] =	ssyncadd.s32 @!p0 s1  }
0x14c: {  	[bflag:$0x3] =	sbarrier.arrive $0xFFFF  }
0x14d: {  	_ =	shalt  }

</sc_bundles>
